<compile_context>
chip_gen: v7x
topology: tpu7x:2x2x1
jax: 0.10.2.dev20260603
libtpu: 0.0.44.dev20260713+nightly
codegen_flags: <defaults>
</compile_context>

<pallas_src>
import jax
import jax.numpy as jnp
from jax import lax
from jax.experimental import pallas as pl
from jax.experimental.pallas import tpu as pltpu
from jax.experimental.pallas import tpu_sc as plsc

M = 100000
N1 = 20000
D = 128
HISTORY_LEN = 30
TID_RANGE = 30000

NW = 32
CH = 3136
CT = 640
NSET = 512
NDROP = CH + CT + 16

SH = 112
NSEG_H = CH // SH
ST = 128
NSEG_T = CT // ST
NBUF = 4


def _sc_body(zt_hbm, zr_hbm, t2_hbm, htids_hbm, hages_hbm, ttids_hbm,
             hfeat_hbm, tfeat_hbm, out_hbm,
             table_v, t2_v, tids_v, ages_v, ttids_v, drop_v, zrows_v,
             b0, b1, b2, b3, i0, i1, i2, i3, o0, o1, o2, o3, ssem,
             m0, m1, m2, m3, m4, m5):
    wid = lax.axis_index("s") * 2 + lax.axis_index("c")
    bufs = [b0, b1, b2, b3]
    ins = [i0, i1, i2, i3]
    outs = [o0, o1, o2, o3]
    base_h = wid * CH
    start_h = jnp.minimum(base_h, M - CH)
    base_t = wid * CT
    start_t = jnp.minimum(base_t, N1 - CT)

    pltpu.async_copy(zt_hbm, table_v, m0)
    pltpu.async_copy(t2_hbm, t2_v, m1)
    pltpu.async_copy(htids_hbm.at[pl.ds(start_h, CH)], tids_v, m2)
    pltpu.async_copy(hages_hbm.at[pl.ds(start_h, CH)], ages_v, m3)
    pltpu.async_copy(ttids_hbm.at[pl.ds(start_t, CT)], ttids_v, m4)
    pltpu.async_copy(zr_hbm, zrows_v, m5)

    def h_src(g):
        start = jnp.minimum(base_h + g * SH, M - SH)
        return hfeat_hbm.at[pl.ds(start, SH), :]

    def h_dst(g):
        start = jnp.minimum(base_h + g * SH, M - SH)
        return out_hbm.at[pl.ds(start, SH), :]

    for b in range(NBUF):
        pltpu.async_copy(h_src(b), bufs[b].at[pl.ds(0, SH), :], ins[b])

    pltpu.make_async_copy(zt_hbm, table_v, m0).wait()
    pltpu.make_async_copy(t2_hbm, t2_v, m1).wait()

    def _scatter(j, _):
        idx = t2_v[pl.ds(j * 16, 16)]
        plsc.store_scatter(table_v, [idx], jnp.ones((16,), jnp.float32))
        return 0
    lax.fori_loop(0, NSET // 16, _scatter, 0)

    pltpu.make_async_copy(htids_hbm.at[pl.ds(start_h, CH)], tids_v, m2).wait()
    pltpu.make_async_copy(hages_hbm.at[pl.ds(start_h, CH)], ages_v, m3).wait()
    lanes = lax.iota(jnp.int32, 16)

    def _hist(k, cnt):
        sl = pl.ds(k * 16, 16)
        tid = tids_v[sl]
        hit = plsc.load_gather(table_v, [tid])
        age = ages_v[sl]
        keep = jnp.logical_and(
            jnp.logical_and(tid != 0, hit == 0.0), age <= HISTORY_LEN - 1)
        rows = start_h + k * 16 + lanes
        dropm = jnp.logical_and(jnp.logical_not(keep), rows >= base_h)
        plsc.store_compressed(drop_v.at[pl.ds(cnt, 16)], rows, mask=dropm)
        return cnt + jnp.sum(dropm.astype(jnp.int32))
    cnt = lax.fori_loop(0, CH // 16, _hist, jnp.int32(0))

    pltpu.make_async_copy(ttids_hbm.at[pl.ds(start_t, CT)], ttids_v, m4).wait()

    def _det(k, cnt):
        sl = pl.ds(k * 16, 16)
        tid = ttids_v[sl]
        hit = plsc.load_gather(table_v, [tid])
        keep = jnp.logical_and(tid != 0, hit == 0.0)
        rows = start_t + k * 16 + lanes
        dropm = jnp.logical_and(jnp.logical_not(keep), rows >= base_t)
        plsc.store_compressed(drop_v.at[pl.ds(cnt, 16)], rows + M, mask=dropm)
        return cnt + jnp.sum(dropm.astype(jnp.int32))
    cnt = lax.fori_loop(0, CT // 16, _det, cnt)

    @pl.loop(0, NSEG_H // NBUF)
    def _copy_h(o):
        for b in range(NBUF):
            g = o * NBUF + b
            pltpu.make_async_copy(h_src(0), bufs[b].at[pl.ds(0, SH), :],
                                  ins[b]).wait()
            pltpu.async_copy(bufs[b].at[pl.ds(0, SH), :], h_dst(g), outs[b])

            @pl.when(g + NBUF < NSEG_H)
            def _():
                pltpu.make_async_copy(bufs[b].at[pl.ds(0, SH), :], h_dst(0),
                                      outs[b]).wait()
                pltpu.async_copy(h_src(g + NBUF), bufs[b].at[pl.ds(0, SH), :],
                                 ins[b])

    for b in range(NBUF):
        pltpu.make_async_copy(bufs[b].at[pl.ds(0, SH), :], h_dst(0),
                              outs[b]).wait()

    def t_src(g):
        start = jnp.minimum(base_t + g * ST, N1 - ST)
        return tfeat_hbm.at[pl.ds(start, ST), :]

    def t_dst(g):
        start = jnp.minimum(base_t + g * ST, N1 - ST)
        return out_hbm.at[pl.ds(M + start, ST), :]

    for b in range(NBUF):
        pltpu.async_copy(t_src(b), bufs[b], ins[b])
    for g in range(NSEG_T):
        b = g % NBUF
        pltpu.make_async_copy(t_src(0), bufs[b], ins[b]).wait()
        pltpu.async_copy(bufs[b], t_dst(g), outs[b])
        if g + NBUF < NSEG_T:
            pltpu.make_async_copy(bufs[b], t_dst(0), outs[b]).wait()
            pltpu.async_copy(t_src(g + NBUF), bufs[b], ins[b])
    for g in range(max(NSEG_T - NBUF, 0), NSEG_T):
        pltpu.make_async_copy(bufs[g % NBUF], t_dst(0), outs[g % NBUF]).wait()

    pltpu.make_async_copy(zr_hbm, zrows_v, m5).wait()
    nfull = cnt // 16
    rem = cnt - nfull * 16

    def _fire(c, _):
        idx = drop_v[pl.ds(c * 16, 16)]
        pltpu.async_copy(zrows_v, out_hbm.at[idx], ssem)
        return 0
    lax.fori_loop(0, nfull, _fire, 0)

    @pl.when(rem > 0)
    def _():
        head = plsc.load_gather(drop_v, [jnp.full((16,), nfull * 16, jnp.int32)])
        tail = drop_v[pl.ds(nfull * 16, 16)]
        idx = jnp.where(lanes < rem, tail, head)
        pltpu.async_copy(zrows_v, out_hbm.at[idx], ssem)

    nchunks = nfull + jnp.where(rem > 0, 1, 0).astype(jnp.int32)

    def _drain(c, _):
        pltpu.make_async_copy(zrows_v, out_hbm.at[jnp.zeros((16,), jnp.int32)],
                              ssem).wait()
        return 0
    lax.fori_loop(0, nchunks, _drain, 0)


_sc_full = pl.kernel(
    _sc_body,
    out_type=jax.ShapeDtypeStruct((M + N1, D), jnp.float32),
    mesh=plsc.VectorSubcoreMesh(core_axis_name="c", subcore_axis_name="s"),
    compiler_params=pltpu.CompilerParams(needs_layout_passes=False),
    scratch_types=[
        pltpu.VMEM((TID_RANGE,), jnp.float32),
        pltpu.VMEM((NSET,), jnp.int32),
        pltpu.VMEM((CH,), jnp.int32),
        pltpu.VMEM((CH,), jnp.int32),
        pltpu.VMEM((CT,), jnp.int32),
        pltpu.VMEM((NDROP,), jnp.int32),
        pltpu.VMEM((16, D), jnp.float32),
    ]
    + [pltpu.VMEM((ST, D), jnp.float32)] * NBUF
    + [pltpu.SemaphoreType.DMA] * (2 * NBUF + 1 + 6),
)


def kernel(t1_feats, hist_feats, t1_tids, t2_tids, hist_tids, hist_ages):
    ztable = jnp.zeros((TID_RANGE,), jnp.float32)
    zrows = jnp.zeros((16, D), jnp.float32)
    return _sc_full(ztable, zrows, t2_tids[0], hist_tids[0], hist_ages,
                    t1_tids[0], hist_feats, t1_feats)

# --- scband reference (transcript-rebuilt; emitter-appended) ---
"""Pipeline reference for scband-tracklet-manager-75350906241878 (READ-ONLY COPY).

The authoritative reference and input builder live on the scoring server;
editing this copy changes nothing except your own understanding.
"""

import jax, jax.numpy as jnp
import numpy as np

N1 = 20000
N2 = 512
M = 100000
D = 128
HISTORY_LEN = 30


def setup_inputs(seed: int = 0) -> dict:
    key = jax.random.key(seed)
    k1, k2, k3, k4, k5, k6 = jax.random.split(key, 6)
    t1_feats = jax.random.normal(k1, (N1, D), dtype=jnp.float32)
    hist_feats = jax.random.normal(k2, (M, D), dtype=jnp.float32)
    t1_tids = jax.random.randint(k3, (1, N1), 0, 30000, dtype=jnp.int32)
    t2_tids = jax.random.randint(k4, (1, N2), 0, 30000, dtype=jnp.int32)
    hist_tids = jax.random.randint(k5, (1, M), 0, 30000, dtype=jnp.int32)
    hist_ages = jax.random.randint(k6, (M,), 0, 40, dtype=jnp.int32)
    return {
        't1_feats': t1_feats,
        'hist_feats': hist_feats,
        't1_tids': t1_tids,
        't2_tids': t2_tids,
        'hist_tids': hist_tids,
        'hist_ages': hist_ages,
    }


def reference(t1_feats, hist_feats, t1_tids, t2_tids, hist_tids, hist_ages):
    # Mirrors TrackletManager.update_history tensor path with static shapes:
    # concat current-frame tids with history tids, build the t1/t2 equality
    # matrix (repeat/broadcast as in torch), derive not_found masks, age the
    # unmatched history entries (update_tracklets), drop inactive ones
    # (remove_inactive_tracklets), and add unmatched detections as new
    # tracklets (add_tracklets). Filtering is expressed as masked
    # overwrite (scatter-style zeroing) so shapes stay static.
    all_tids = jnp.concatenate([t1_tids, hist_tids], axis=1)  # [1, N1+M]
    n_total = all_tids.shape[1]
    t1_mat = jnp.broadcast_to(all_tids, (t2_tids.shape[1], n_total))
    t2_mat = jnp.broadcast_to(t2_tids[0][:, None], (t2_tids.shape[1], n_total))
    t1_t2_eq_mat = t1_mat == t2_mat
    not_found = jnp.logical_and(t1_t2_eq_mat.sum(axis=0) == 0, all_tids[0] != 0)
    not_found_mask_t1 = not_found[:N1]
    not_found_mask_history = not_found[N1:]
    # update_tracklets: ages[not_found] += 1, keep only not_found rows
    new_ages = jnp.where(not_found_mask_history, hist_ages + 1, hist_ages)
    # remove_inactive_tracklets: keep ages <= history_len
    active = jnp.logical_and(not_found_mask_history, new_ages <= HISTORY_LEN)
    updated_hist = hist_feats * active[:, None].astype(jnp.float32)
    # add_tracklets: gather unmatched detection features into memory
    new_tracklets = t1_feats * not_found_mask_t1[:, None].astype(jnp.float32)
    return jnp.concatenate([updated_hist, new_tracklets], axis=0)

if __name__ == "__main__":
    import jax
    _d = setup_inputs()
    print(jax.jit(kernel)(*tuple(_d.values())))

</pallas_src>

<mosaic_0001>
#map = affine_map<(d0, d1) -> (0)>
#map1 = affine_map<(d0, d1) -> (0, 0)>
module attributes {stable_mosaic.version = 14 : i64} {
  func.func @_sc_body(%arg0: i32, %arg1: i32, %arg2: memref<30000xf32, #tpu.memory_space<hbm>>, %arg3: memref<16x128xf32, #tpu.memory_space<hbm>>, %arg4: memref<512xi32, #tpu.memory_space<hbm>>, %arg5: memref<100000xi32, #tpu.memory_space<hbm>>, %arg6: memref<100000xi32, #tpu.memory_space<hbm>>, %arg7: memref<20000xi32, #tpu.memory_space<hbm>>, %arg8: memref<100000x128xf32, #tpu.memory_space<hbm>>, %arg9: memref<20000x128xf32, #tpu.memory_space<hbm>>, %arg10: memref<120000x128xf32, #tpu.memory_space<hbm>>, %arg11: memref<30000xf32, #tpu.memory_space<vmem>>, %arg12: memref<512xi32, #tpu.memory_space<vmem>>, %arg13: memref<3136xi32, #tpu.memory_space<vmem>>, %arg14: memref<3136xi32, #tpu.memory_space<vmem>>, %arg15: memref<640xi32, #tpu.memory_space<vmem>>, %arg16: memref<3792xi32, #tpu.memory_space<vmem>>, %arg17: memref<16x128xf32, #tpu.memory_space<vmem>>, %arg18: memref<128x128xf32, #tpu.memory_space<vmem>>, %arg19: memref<128x128xf32, #tpu.memory_space<vmem>>, %arg20: memref<128x128xf32, #tpu.memory_space<vmem>>, %arg21: memref<128x128xf32, #tpu.memory_space<vmem>>, %arg22: memref<!tpu.dma_semaphore, #tpu.memory_space<semaphore_mem>>, %arg23: memref<!tpu.dma_semaphore, #tpu.memory_space<semaphore_mem>>, %arg24: memref<!tpu.dma_semaphore, #tpu.memory_space<semaphore_mem>>, %arg25: memref<!tpu.dma_semaphore, #tpu.memory_space<semaphore_mem>>, %arg26: memref<!tpu.dma_semaphore, #tpu.memory_space<semaphore_mem>>, %arg27: memref<!tpu.dma_semaphore, #tpu.memory_space<semaphore_mem>>, %arg28: memref<!tpu.dma_semaphore, #tpu.memory_space<semaphore_mem>>, %arg29: memref<!tpu.dma_semaphore, #tpu.memory_space<semaphore_mem>>, %arg30: memref<!tpu.dma_semaphore, #tpu.memory_space<semaphore_mem>>, %arg31: memref<!tpu.dma_semaphore, #tpu.memory_space<semaphore_mem>>, %arg32: memref<!tpu.dma_semaphore, #tpu.memory_space<semaphore_mem>>, %arg33: memref<!tpu.dma_semaphore, #tpu.memory_space<semaphore_mem>>, %arg34: memref<!tpu.dma_semaphore, #tpu.memory_space<semaphore_mem>>, %arg35: memref<!tpu.dma_semaphore, #tpu.memory_space<semaphore_mem>>, %arg36: memref<!tpu.dma_semaphore, #tpu.memory_space<semaphore_mem>>) attributes {dimension_semantics = [#tpu.dimension_semantics<core_parallel>, #tpu.dimension_semantics<subcore_parallel>], iteration_bounds = array<i64: 2, 16>, scalar_prefetch = 0 : i64, scratch_operands = 26 : i64, tpu.core_type = #tpu.core_type<sc_vector_subcore>, window_params = [{transform_indices = #map}, {transform_indices = #map1}, {transform_indices = #map}, {transform_indices = #map}, {transform_indices = #map}, {transform_indices = #map}, {transform_indices = #map1}, {transform_indices = #map1}, {transform_indices = #map1}]} {
    %mul3A = arith.constant 2 : i32
    %mul3A_0 = arith.muli %arg1, %mul3A : i32
    %add3A = arith.addi %mul3A_0, %arg0 : i32
    %mul3A_1 = arith.constant 3136 : i32
    %mul3A_2 = arith.muli %add3A, %mul3A_1 : i32
    %min3A = arith.constant 96864 : i32
    %min3A_3 = arith.minsi %mul3A_2, %min3A : i32
    %mul3A_4 = arith.constant 640 : i32
    %mul3A_5 = arith.muli %add3A, %mul3A_4 : i32
    %min3A_6 = arith.constant 19360 : i32
    %min3A_7 = arith.minsi %mul3A_5, %min3A_6 : i32
    tpu.enqueue_dma source(%arg2 : memref<30000xf32, #tpu.memory_space<hbm>>) target(%arg11 : memref<30000xf32, #tpu.memory_space<vmem>>) target_semaphore(%arg31 : memref<!tpu.dma_semaphore, #tpu.memory_space<semaphore_mem>>)
    tpu.enqueue_dma source(%arg4 : memref<512xi32, #tpu.memory_space<hbm>>) target(%arg12 : memref<512xi32, #tpu.memory_space<vmem>>) target_semaphore(%arg32 : memref<!tpu.dma_semaphore, #tpu.memory_space<semaphore_mem>>)
    %dma_start3A = tpu.memref_slice %arg5[%min3A_3] : memref<100000xi32, #tpu.memory_space<hbm>> -> memref<3136xi32, #tpu.memory_space<hbm>>
    %dma_start3A_8 = tpu.memref_slice %arg5[%min3A_3] : memref<100000xi32, #tpu.memory_space<hbm>> -> memref<3136xi32, #tpu.memory_space<hbm>>
    tpu.enqueue_dma source(%dma_start3A_8 : memref<3136xi32, #tpu.memory_space<hbm>>) target(%arg13 : memref<3136xi32, #tpu.memory_space<vmem>>) target_semaphore(%arg33 : memref<!tpu.dma_semaphore, #tpu.memory_space<semaphore_mem>>)
    %dma_start3A_9 = tpu.memref_slice %arg6[%min3A_3] : memref<100000xi32, #tpu.memory_space<hbm>> -> memref<3136xi32, #tpu.memory_space<hbm>>
    %dma_start3A_10 = tpu.memref_slice %arg6[%min3A_3] : memref<100000xi32, #tpu.memory_space<hbm>> -> memref<3136xi32, #tpu.memory_space<hbm>>
    tpu.enqueue_dma source(%dma_start3A_10 : memref<3136xi32, #tpu.memory_space<hbm>>) target(%arg14 : memref<3136xi32, #tpu.memory_space<vmem>>) target_semaphore(%arg34 : memref<!tpu.dma_semaphore, #tpu.memory_space<semaphore_mem>>)
    %dma_start3A_11 = tpu.memref_slice %arg7[%min3A_7] : memref<20000xi32, #tpu.memory_space<hbm>> -> memref<640xi32, #tpu.memory_space<hbm>>
    %dma_start3A_12 = tpu.memref_slice %arg7[%min3A_7] : memref<20000xi32, #tpu.memory_space<hbm>> -> memref<640xi32, #tpu.memory_space<hbm>>
    tpu.enqueue_dma source(%dma_start3A_12 : memref<640xi32, #tpu.memory_space<hbm>>) target(%arg15 : memref<640xi32, #tpu.memory_space<vmem>>) target_semaphore(%arg35 : memref<!tpu.dma_semaphore, #tpu.memory_space<semaphore_mem>>)
    tpu.enqueue_dma source(%arg3 : memref<16x128xf32, #tpu.memory_space<hbm>>) target(%arg17 : memref<16x128xf32, #tpu.memory_space<vmem>>) target_semaphore(%arg36 : memref<!tpu.dma_semaphore, #tpu.memory_space<semaphore_mem>>)
    %add3A_13 = arith.constant 0 : i32
    %add3A_14 = arith.addi %mul3A_2, %add3A_13 : i32
    %min3A_15 = arith.constant 99888 : i32
    %min3A_16 = arith.minsi %add3A_14, %min3A_15 : i32
    %dma_start3A_17 = arith.constant 0 : i32
    %dma_start3A_18 = arith.constant 0 : i32
    %dma_start3A_19 = tpu.memref_slice %arg18[%dma_start3A_17, %dma_start3A_18] : memref<128x128xf32, #tpu.memory_space<vmem>> -> memref<112x128xf32, #tpu.memory_space<vmem>>
    %dma_start3A_20 = arith.constant 0 : i32
    %dma_start3A_21 = tpu.memref_slice %arg8[%min3A_16, %dma_start3A_20] : memref<100000x128xf32, #tpu.memory_space<hbm>> -> memref<112x128xf32, #tpu.memory_space<hbm>>
    %dma_start3A_22 = arith.constant 0 : i32
    %dma_start3A_23 = arith.constant 0 : i32
    %dma_start3A_24 = tpu.memref_slice %arg18[%dma_start3A_22, %dma_start3A_23] : memref<128x128xf32, #tpu.memory_space<vmem>> -> memref<112x128xf32, #tpu.memory_space<vmem>>
    %dma_start3A_25 = arith.constant 0 : i32
    %dma_start3A_26 = tpu.memref_slice %arg8[%min3A_16, %dma_start3A_25] : memref<100000x128xf32, #tpu.memory_space<hbm>> -> memref<112x128xf32, #tpu.memory_space<hbm>>
    tpu.enqueue_dma source(%dma_start3A_26 : memref<112x128xf32, #tpu.memory_space<hbm>>) target(%dma_start3A_24 : memref<112x128xf32, #tpu.memory_space<vmem>>) target_semaphore(%arg22 : memref<!tpu.dma_semaphore, #tpu.memory_space<semaphore_mem>>)
    %add3A_27 = arith.constant 112 : i32
    %add3A_28 = arith.addi %mul3A_2, %add3A_27 : i32
    %min3A_29 = arith.constant 99888 : i32
    %min3A_30 = arith.minsi %add3A_28, %min3A_29 : i32
    %dma_start3A_31 = arith.constant 0 : i32
    %dma_start3A_32 = arith.constant 0 : i32
    %dma_start3A_33 = tpu.memref_slice %arg19[%dma_start3A_31, %dma_start3A_32] : memref<128x128xf32, #tpu.memory_space<vmem>> -> memref<112x128xf32, #tpu.memory_space<vmem>>
    %dma_start3A_34 = arith.constant 0 : i32
    %dma_start3A_35 = tpu.memref_slice %arg8[%min3A_30, %dma_start3A_34] : memref<100000x128xf32, #tpu.memory_space<hbm>> -> memref<112x128xf32, #tpu.memory_space<hbm>>
    %dma_start3A_36 = arith.constant 0 : i32
    %dma_start3A_37 = arith.constant 0 : i32
    %dma_start3A_38 = tpu.memref_slice %arg19[%dma_start3A_36, %dma_start3A_37] : memref<128x128xf32, #tpu.memory_space<vmem>> -> memref<112x128xf32, #tpu.memory_space<vmem>>
    %dma_start3A_39 = arith.constant 0 : i32
    %dma_start3A_40 = tpu.memref_slice %arg8[%min3A_30, %dma_start3A_39] : memref<100000x128xf32, #tpu.memory_space<hbm>> -> memref<112x128xf32, #tpu.memory_space<hbm>>
    tpu.enqueue_dma source(%dma_start3A_40 : memref<112x128xf32, #tpu.memory_space<hbm>>) target(%dma_start3A_38 : memref<112x128xf32, #tpu.memory_space<vmem>>) target_semaphore(%arg23 : memref<!tpu.dma_semaphore, #tpu.memory_space<semaphore_mem>>)
    %add3A_41 = arith.constant 224 : i32
    %add3A_42 = arith.addi %mul3A_2, %add3A_41 : i32
    %min3A_43 = arith.constant 99888 : i32
    %min3A_44 = arith.minsi %add3A_42, %min3A_43 : i32
    %dma_start3A_45 = arith.constant 0 : i32
    %dma_start3A_46 = arith.constant 0 : i32
    %dma_start3A_47 = tpu.memref_slice %arg20[%dma_start3A_45, %dma_start3A_46] : memref<128x128xf32, #tpu.memory_space<vmem>> -> memref<112x128xf32, #tpu.memory_space<vmem>>
    %dma_start3A_48 = arith.constant 0 : i32
    %dma_start3A_49 = tpu.memref_slice %arg8[%min3A_44, %dma_start3A_48] : memref<100000x128xf32, #tpu.memory_space<hbm>> -> memref<112x128xf32, #tpu.memory_space<hbm>>
    %dma_start3A_50 = arith.constant 0 : i32
    %dma_start3A_51 = arith.constant 0 : i32
    %dma_start3A_52 = tpu.memref_slice %arg20[%dma_start3A_50, %dma_start3A_51] : memref<128x128xf32, #tpu.memory_space<vmem>> -> memref<112x128xf32, #tpu.memory_space<vmem>>
    %dma_start3A_53 = arith.constant 0 : i32
    %dma_start3A_54 = tpu.memref_slice %arg8[%min3A_44, %dma_start3A_53] : memref<100000x128xf32, #tpu.memory_space<hbm>> -> memref<112x128xf32, #tpu.memory_space<hbm>>
    tpu.enqueue_dma source(%dma_start3A_54 : memref<112x128xf32, #tpu.memory_space<hbm>>) target(%dma_start3A_52 : memref<112x128xf32, #tpu.memory_space<vmem>>) target_semaphore(%arg24 : memref<!tpu.dma_semaphore, #tpu.memory_space<semaphore_mem>>)
    %add3A_55 = arith.constant 336 : i32
    %add3A_56 = arith.addi %mul3A_2, %add3A_55 : i32
    %min3A_57 = arith.constant 99888 : i32
    %min3A_58 = arith.minsi %add3A_56, %min3A_57 : i32
    %dma_start3A_59 = arith.constant 0 : i32
    %dma_start3A_60 = arith.constant 0 : i32
    %dma_start3A_61 = tpu.memref_slice %arg21[%dma_start3A_59, %dma_start3A_60] : memref<128x128xf32, #tpu.memory_space<vmem>> -> memref<112x128xf32, #tpu.memory_space<vmem>>
    %dma_start3A_62 = arith.constant 0 : i32
    %dma_start3A_63 = tpu.memref_slice %arg8[%min3A_58, %dma_start3A_62] : memref<100000x128xf32, #tpu.memory_space<hbm>> -> memref<112x128xf32, #tpu.memory_space<hbm>>
    %dma_start3A_64 = arith.constant 0 : i32
    %dma_start3A_65 = arith.constant 0 : i32
    %dma_start3A_66 = tpu.memref_slice %arg21[%dma_start3A_64, %dma_start3A_65] : memref<128x128xf32, #tpu.memory_space<vmem>> -> memref<112x128xf32, #tpu.memory_space<vmem>>
    %dma_start3A_67 = arith.constant 0 : i32
    %dma_start3A_68 = tpu.memref_slice %arg8[%min3A_58, %dma_start3A_67] : memref<100000x128xf32, #tpu.memory_space<hbm>> -> memref<112x128xf32, #tpu.memory_space<hbm>>
    tpu.enqueue_dma source(%dma_start3A_68 : memref<112x128xf32, #tpu.memory_space<hbm>>) target(%dma_start3A_66 : memref<112x128xf32, #tpu.memory_space<vmem>>) target_semaphore(%arg25 : memref<!tpu.dma_semaphore, #tpu.memory_space<semaphore_mem>>)
    tpu.wait_dma2 semaphore(%arg31 : memref<!tpu.dma_semaphore, #tpu.memory_space<semaphore_mem>>) src(%arg2 : memref<30000xf32, #tpu.memory_space<hbm>>) dst(%arg11 : memref<30000xf32, #tpu.memory_space<vmem>>)
    tpu.wait_dma2 semaphore(%arg32 : memref<!tpu.dma_semaphore, #tpu.memory_space<semaphore_mem>>) src(%arg4 : memref<512xi32, #tpu.memory_space<hbm>>) dst(%arg12 : memref<512xi32, #tpu.memory_space<vmem>>)
    %scan3A = arith.constant 0 : i32
    %scan3A_69 = arith.constant 0 : i32
    %scan3A_70 = arith.constant 32 : i32
    %scan3A_71 = arith.addi %scan3A_69, %scan3A_70 : i32
    %scan3A_72 = arith.constant 1 : i32
    %scan3A_73 = scf.for %scan3A_384 = %scan3A_69 to %scan3A_71 step %scan3A_72 iter_args(%scan3A_385 = %scan3A) -> (i32)  : i32 {
      %mul3A_386 = arith.constant 16 : i32
      %mul3A_387 = arith.muli %scan3A_384, %mul3A_386 : i32
      %get3A = arith.index_cast %mul3A_387 : i32 to index
      %get3A_388 = tpu.vector_load %arg12[%get3A] {strides = array<i32>} : memref<512xi32, #tpu.memory_space<vmem>>, vector<16xi32>,
      %broadcast_in_dim3A = arith.constant 1.000000e+00 : f32
      %broadcast_in_dim3A_389 = vector.broadcast %broadcast_in_dim3A : f32 to vector<16xf32>
      tpu.vector_store_idx %arg11[%get3A_388], %broadcast_in_dim3A_389 : memref<30000xf32, #tpu.memory_space<vmem>>[vector<16xi32>], vector<16xf32>,
      %scan3A_390 = arith.constant 0 : i32
      scf.yield %scan3A_390 : i32
    }
    %scan3A_74 = arith.constant 32 : i32
    %dma_wait3A = tpu.memref_slice %arg5[%min3A_3] : memref<100000xi32, #tpu.memory_space<hbm>> -> memref<3136xi32, #tpu.memory_space<hbm>>
    %dma_wait3A_75 = tpu.memref_slice %arg5[%min3A_3] : memref<100000xi32, #tpu.memory_space<hbm>> -> memref<3136xi32, #tpu.memory_space<hbm>>
    tpu.wait_dma2 semaphore(%arg33 : memref<!tpu.dma_semaphore, #tpu.memory_space<semaphore_mem>>) src(%dma_wait3A_75 : memref<3136xi32, #tpu.memory_space<hbm>>) dst(%arg13 : memref<3136xi32, #tpu.memory_space<vmem>>)
    %dma_wait3A_76 = tpu.memref_slice %arg6[%min3A_3] : memref<100000xi32, #tpu.memory_space<hbm>> -> memref<3136xi32, #tpu.memory_space<hbm>>
    %dma_wait3A_77 = tpu.memref_slice %arg6[%min3A_3] : memref<100000xi32, #tpu.memory_space<hbm>> -> memref<3136xi32, #tpu.memory_space<hbm>>
    tpu.wait_dma2 semaphore(%arg34 : memref<!tpu.dma_semaphore, #tpu.memory_space<semaphore_mem>>) src(%dma_wait3A_77 : memref<3136xi32, #tpu.memory_space<hbm>>) dst(%arg14 : memref<3136xi32, #tpu.memory_space<vmem>>)
    %iota3A = tpu.iota {dimensions = array<i32: 0>} : vector<16xi32>
    %scan3A_78 = arith.constant 0 : i32
    %scan3A_79 = arith.constant 0 : i32
    %scan3A_80 = arith.constant 196 : i32
    %scan3A_81 = arith.addi %scan3A_79, %scan3A_80 : i32
    %scan3A_82 = arith.constant 1 : i32
    %scan3A_83 = scf.for %scan3A_384 = %scan3A_79 to %scan3A_81 step %scan3A_82 iter_args(%scan3A_385 = %scan3A_78) -> (i32)  : i32 {
      %mul3A_386 = arith.constant 16 : i32
      %mul3A_387 = arith.muli %scan3A_384, %mul3A_386 : i32
      %get3A = arith.index_cast %mul3A_387 : i32 to index
      %get3A_388 = tpu.vector_load %arg13[%get3A] {strides = array<i32>} : memref<3136xi32, #tpu.memory_space<vmem>>, vector<16xi32>,
      %gather3A = tpu.vector_load_idx %arg11[%get3A_388] : memref<30000xf32, #tpu.memory_space<vmem>>[vector<16xi32>], vector<16xf32>,
      %get3A_389 = arith.index_cast %mul3A_387 : i32 to index
      %get3A_390 = tpu.vector_load %arg14[%get3A_389] {strides = array<i32>} : memref<3136xi32, #tpu.memory_space<vmem>>, vector<16xi32>,
      %ne3A_391 = arith.constant 0 : i32
      %ne3A_392 = vector.broadcast %ne3A_391 : i32 to vector<16xi32>
      %ne3A_393 = arith.cmpi ne, %get3A_388, %ne3A_392 : vector<16xi32>
      %eq3A = arith.constant 0.000000e+00 : f32
      %eq3A_394 = vector.broadcast %eq3A : f32 to vector<16xf32>
      %eq3A_395 = arith.cmpf oeq, %gather3A, %eq3A_394 : vector<16xf32>
      %and3A_396 = arith.andi %ne3A_393, %eq3A_395 : vector<16xi1>
      %le3A = arith.constant 29 : i32
      %le3A_397 = vector.broadcast %le3A : i32 to vector<16xi32>
      %le3A_398 = arith.cmpi sle, %get3A_390, %le3A_397 : vector<16xi32>
      %and3A_399 = arith.andi %and3A_396, %le3A_398 : vector<16xi1>
      %mul3A_400 = arith.constant 16 : i32
      %mul3A_401 = arith.muli %scan3A_384, %mul3A_400 : i32
      %add3A_402 = arith.addi %min3A_3, %mul3A_401 : i32
      %add3A_403 = vector.broadcast %add3A_402 : i32 to vector<16xi32>
      %add3A_404 = arith.addi %add3A_403, %iota3A : vector<16xi32>
      %not3A = arith.constant dense<true> : vector<16xi1>
      %not3A_405 = arith.xori %and3A_399, %not3A : vector<16xi1>
      %ge3A = vector.broadcast %mul3A_2 : i32 to vector<16xi32>
      %ge3A_406 = arith.cmpi sge, %add3A_404, %ge3A : vector<16xi32>
      %and3A_407 = arith.andi %not3A_405, %ge3A_406 : vector<16xi1>
      %swap3A = arith.index_cast %scan3A_385 : i32 to index
      %swap3A_408 = tpu.vector_load %arg16[%swap3A] masked %and3A_407 {strides = array<i32>} : memref<3792xi32, #tpu.memory_space<vmem>>, vector<16xi32>, vector<16xi1>
      tpu.vector_store %arg16[%swap3A], %add3A_404 masked %and3A_407 {strides = array<i32>} : memref<3792xi32, #tpu.memory_space<vmem>>, vector<16xi32>, vector<16xi1>
      %convert_element_type3A_409 = arith.extui %and3A_407 : vector<16xi1> to vector<16xi32>
      %reduce_sum3A = arith.constant true
      %reduce_sum3A_410 = vector.broadcast %reduce_sum3A : i1 to vector<16xi1>
      %reduce_sum3A_411 = tpu.scan <sum>, %convert_element_type3A_409 masked %reduce_sum3A_410 : vector<16xi32>, vector<16xi1> -> vector<16xi32>
      %reduce_sum3A_412 = vector.extract %reduce_sum3A_411[15] : i32 from vector<16xi32>
      %add3A_413 = arith.addi %scan3A_385, %reduce_sum3A_412 : i32
      scf.yield %add3A_413 : i32
    }
    %scan3A_84 = arith.constant 196 : i32
    %dma_wait3A_85 = tpu.memref_slice %arg7[%min3A_7] : memref<20000xi32, #tpu.memory_space<hbm>> -> memref<640xi32, #tpu.memory_space<hbm>>
    %dma_wait3A_86 = tpu.memref_slice %arg7[%min3A_7] : memref<20000xi32, #tpu.memory_space<hbm>> -> memref<640xi32, #tpu.memory_space<hbm>>
    tpu.wait_dma2 semaphore(%arg35 : memref<!tpu.dma_semaphore, #tpu.memory_space<semaphore_mem>>) src(%dma_wait3A_86 : memref<640xi32, #tpu.memory_space<hbm>>) dst(%arg15 : memref<640xi32, #tpu.memory_space<vmem>>)
    %scan3A_87 = arith.constant 0 : i32
    %scan3A_88 = arith.constant 40 : i32
    %scan3A_89 = arith.addi %scan3A_87, %scan3A_88 : i32
    %scan3A_90 = arith.constant 1 : i32
    %scan3A_91 = scf.for %scan3A_384 = %scan3A_87 to %scan3A_89 step %scan3A_90 iter_args(%scan3A_385 = %scan3A_83) -> (i32)  : i32 {
      %mul3A_386 = arith.constant 16 : i32
      %mul3A_387 = arith.muli %scan3A_384, %mul3A_386 : i32
      %get3A = arith.index_cast %mul3A_387 : i32 to index
      %get3A_388 = tpu.vector_load %arg15[%get3A] {strides = array<i32>} : memref<640xi32, #tpu.memory_space<vmem>>, vector<16xi32>,
      %gather3A = tpu.vector_load_idx %arg11[%get3A_388] : memref<30000xf32, #tpu.memory_space<vmem>>[vector<16xi32>], vector<16xf32>,
      %ne3A_389 = arith.constant 0 : i32
      %ne3A_390 = vector.broadcast %ne3A_389 : i32 to vector<16xi32>
      %ne3A_391 = arith.cmpi ne, %get3A_388, %ne3A_390 : vector<16xi32>
      %eq3A = arith.constant 0.000000e+00 : f32
      %eq3A_392 = vector.broadcast %eq3A : f32 to vector<16xf32>
      %eq3A_393 = arith.cmpf oeq, %gather3A, %eq3A_392 : vector<16xf32>
      %and3A_394 = arith.andi %ne3A_391, %eq3A_393 : vector<16xi1>
      %mul3A_395 = arith.constant 16 : i32
      %mul3A_396 = arith.muli %scan3A_384, %mul3A_395 : i32
      %add3A_397 = arith.addi %min3A_7, %mul3A_396 : i32
      %add3A_398 = vector.broadcast %add3A_397 : i32 to vector<16xi32>
      %add3A_399 = arith.addi %add3A_398, %iota3A : vector<16xi32>
      %not3A = arith.constant dense<true> : vector<16xi1>
      %not3A_400 = arith.xori %and3A_394, %not3A : vector<16xi1>
      %ge3A = vector.broadcast %mul3A_5 : i32 to vector<16xi32>
      %ge3A_401 = arith.cmpi sge, %add3A_399, %ge3A : vector<16xi32>
      %and3A_402 = arith.andi %not3A_400, %ge3A_401 : vector<16xi1>
      %add3A_403 = arith.constant 100000 : i32
      %add3A_404 = vector.broadcast %add3A_403 : i32 to vector<16xi32>
      %add3A_405 = arith.addi %add3A_399, %add3A_404 : vector<16xi32>
      %swap3A = arith.index_cast %scan3A_385 : i32 to index
      %swap3A_406 = tpu.vector_load %arg16[%swap3A] masked %and3A_402 {strides = array<i32>} : memref<3792xi32, #tpu.memory_space<vmem>>, vector<16xi32>, vector<16xi1>
      tpu.vector_store %arg16[%swap3A], %add3A_405 masked %and3A_402 {strides = array<i32>} : memref<3792xi32, #tpu.memory_space<vmem>>, vector<16xi32>, vector<16xi1>
      %convert_element_type3A_407 = arith.extui %and3A_402 : vector<16xi1> to vector<16xi32>
      %reduce_sum3A = arith.constant true
      %reduce_sum3A_408 = vector.broadcast %reduce_sum3A : i1 to vector<16xi1>
      %reduce_sum3A_409 = tpu.scan <sum>, %convert_element_type3A_407 masked %reduce_sum3A_408 : vector<16xi32>, vector<16xi1> -> vector<16xi32>
      %reduce_sum3A_410 = vector.extract %reduce_sum3A_409[15] : i32 from vector<16xi32>
      %add3A_411 = arith.addi %scan3A_385, %reduce_sum3A_410 : i32
      scf.yield %add3A_411 : i32
    }
    %scan3A_92 = arith.constant 40 : i32
    %scan3A_93 = arith.constant 0 : i32
    %scan3A_94 = arith.constant 7 : i32
    %scan3A_95 = arith.addi %scan3A_93, %scan3A_94 : i32
    %scan3A_96 = arith.constant 1 : i32
    scf.for %scan3A_384 = %scan3A_93 to %scan3A_95 step %scan3A_96  : i32 {
      %mul3A_385 = arith.constant 1 : i32
      %mul3A_386 = arith.muli %scan3A_384, %mul3A_385 : i32
      %add3A_387 = arith.constant 0 : i32
      %add3A_388 = arith.addi %add3A_387, %mul3A_386 : i32
      %mul3A_389 = arith.constant 4 : i32
      %mul3A_390 = arith.muli %add3A_388, %mul3A_389 : i32
      %add3A_391 = arith.constant 0 : i32
      %add3A_392 = arith.addi %mul3A_390, %add3A_391 : i32
      %add3A_393 = arith.constant 0 : i32
      %add3A_394 = arith.addi %mul3A_2, %add3A_393 : i32
      %min3A_395 = arith.constant 99888 : i32
      %min3A_396 = arith.minsi %add3A_394, %min3A_395 : i32
      %dma_wait3A_397 = arith.constant 0 : i32
      %dma_wait3A_398 = arith.constant 0 : i32
      %dma_wait3A_399 = tpu.memref_slice %arg18[%dma_wait3A_397, %dma_wait3A_398] : memref<128x128xf32, #tpu.memory_space<vmem>> -> memref<112x128xf32, #tpu.memory_space<vmem>>
      %dma_wait3A_400 = arith.constant 0 : i32
      %dma_wait3A_401 = tpu.memref_slice %arg8[%min3A_396, %dma_wait3A_400] : memref<100000x128xf32, #tpu.memory_space<hbm>> -> memref<112x128xf32, #tpu.memory_space<hbm>>
      %dma_wait3A_402 = arith.constant 0 : i32
      %dma_wait3A_403 = arith.constant 0 : i32
      %dma_wait3A_404 = tpu.memref_slice %arg18[%dma_wait3A_402, %dma_wait3A_403] : memref<128x128xf32, #tpu.memory_space<vmem>> -> memref<112x128xf32, #tpu.memory_space<vmem>>
      %dma_wait3A_405 = arith.constant 0 : i32
      %dma_wait3A_406 = tpu.memref_slice %arg8[%min3A_396, %dma_wait3A_405] : memref<100000x128xf32, #tpu.memory_space<hbm>> -> memref<112x128xf32, #tpu.memory_space<hbm>>
      tpu.wait_dma2 semaphore(%arg22 : memref<!tpu.dma_semaphore, #tpu.memory_space<semaphore_mem>>) src(%dma_wait3A_406 : memref<112x128xf32, #tpu.memory_space<hbm>>) dst(%dma_wait3A_404 : memref<112x128xf32, #tpu.memory_space<vmem>>)
      %mul3A_407 = arith.constant 112 : i32
      %mul3A_408 = arith.muli %add3A_392, %mul3A_407 : i32
      %add3A_409 = arith.addi %mul3A_2, %mul3A_408 : i32
      %min3A_410 = arith.constant 99888 : i32
      %min3A_411 = arith.minsi %add3A_409, %min3A_410 : i32
      %dma_start3A_412 = arith.constant 0 : i32
      %dma_start3A_413 = arith.constant 0 : i32
      %dma_start3A_414 = tpu.memref_slice %arg18[%dma_start3A_412, %dma_start3A_413] : memref<128x128xf32, #tpu.memory_space<vmem>> -> memref<112x128xf32, #tpu.memory_space<vmem>>
      %dma_start3A_415 = arith.constant 0 : i32
      %dma_start3A_416 = tpu.memref_slice %arg10[%min3A_411, %dma_start3A_415] : memref<120000x128xf32, #tpu.memory_space<hbm>> -> memref<112x128xf32, #tpu.memory_space<hbm>>
      %dma_start3A_417 = arith.constant 0 : i32
      %dma_start3A_418 = tpu.memref_slice %arg10[%min3A_411, %dma_start3A_417] : memref<120000x128xf32, #tpu.memory_space<hbm>> -> memref<112x128xf32, #tpu.memory_space<hbm>>
      %dma_start3A_419 = arith.constant 0 : i32
      %dma_start3A_420 = arith.constant 0 : i32
      %dma_start3A_421 = tpu.memref_slice %arg18[%dma_start3A_419, %dma_start3A_420] : memref<128x128xf32, #tpu.memory_space<vmem>> -> memref<112x128xf32, #tpu.memory_space<vmem>>
      tpu.enqueue_dma source(%dma_start3A_421 : memref<112x128xf32, #tpu.memory_space<vmem>>) target(%dma_start3A_418 : memref<112x128xf32, #tpu.memory_space<hbm>>) target_semaphore(%arg26 : memref<!tpu.dma_semaphore, #tpu.memory_space<semaphore_mem>>)
      %add3A_422 = arith.constant 4 : i32
      %add3A_423 = arith.addi %add3A_392, %add3A_422 : i32
      %lt3A = arith.constant 28 : i32
      %lt3A_424 = arith.cmpi slt, %add3A_423, %lt3A : i32
      %convert_element_type3A_425 = arith.extui %lt3A_424 : i1 to i32
      %cond3A_426 = arith.constant 0 : i32
      %cond3A_427 = arith.cmpi ne, %convert_element_type3A_425, %cond3A_426 : i32
      scf.if %cond3A_427 {
        %add3A_548 = arith.constant 0 : i32
        %add3A_549 = arith.addi %mul3A_2, %add3A_548 : i32
        %min3A_550 = arith.constant 99888 : i32
        %min3A_551 = arith.minsi %add3A_549, %min3A_550 : i32
        %dma_wait3A_552 = arith.constant 0 : i32
        %dma_wait3A_553 = arith.constant 0 : i32
        %dma_wait3A_554 = tpu.memref_slice %arg18[%dma_wait3A_552, %dma_wait3A_553] : memref<128x128xf32, #tpu.memory_space<vmem>> -> memref<112x128xf32, #tpu.memory_space<vmem>>
        %dma_wait3A_555 = arith.constant 0 : i32
        %dma_wait3A_556 = tpu.memref_slice %arg10[%min3A_551, %dma_wait3A_555] : memref<120000x128xf32, #tpu.memory_space<hbm>> -> memref<112x128xf32, #tpu.memory_space<hbm>>
        %dma_wait3A_557 = arith.constant 0 : i32
        %dma_wait3A_558 = tpu.memref_slice %arg10[%min3A_551, %dma_wait3A_557] : memref<120000x128xf32, #tpu.memory_space<hbm>> -> memref<112x128xf32, #tpu.memory_space<hbm>>
        %dma_wait3A_559 = arith.constant 0 : i32
        %dma_wait3A_560 = arith.constant 0 : i32
        %dma_wait3A_561 = tpu.memref_slice %arg18[%dma_wait3A_559, %dma_wait3A_560] : memref<128x128xf32, #tpu.memory_space<vmem>> -> memref<112x128xf32, #tpu.memory_space<vmem>>
        tpu.wait_dma2 semaphore(%arg26 : memref<!tpu.dma_semaphore, #tpu.memory_space<semaphore_mem>>) src(%dma_wait3A_561 : memref<112x128xf32, #tpu.memory_space<vmem>>) dst(%dma_wait3A_558 : memref<112x128xf32, #tpu.memory_space<hbm>>)
        %add3A_562 = arith.constant 4 : i32
        %add3A_563 = arith.addi %add3A_392, %add3A_562 : i32
        %mul3A_564 = arith.constant 112 : i32
        %mul3A_565 = arith.muli %add3A_563, %mul3A_564 : i32
        %add3A_566 = arith.addi %mul3A_2, %mul3A_565 : i32
        %min3A_567 = arith.constant 99888 : i32
        %min3A_568 = arith.minsi %add3A_566, %min3A_567 : i32
        %dma_start3A_569 = arith.constant 0 : i32
        %dma_start3A_570 = arith.constant 0 : i32
        %dma_start3A_571 = tpu.memref_slice %arg18[%dma_start3A_569, %dma_start3A_570] : memref<128x128xf32, #tpu.memory_space<vmem>> -> memref<112x128xf32, #tpu.memory_space<vmem>>
        %dma_start3A_572 = arith.constant 0 : i32
        %dma_start3A_573 = tpu.memref_slice %arg8[%min3A_568, %dma_start3A_572] : memref<100000x128xf32, #tpu.memory_space<hbm>> -> memref<112x128xf32, #tpu.memory_space<hbm>>
        %dma_start3A_574 = arith.constant 0 : i32
        %dma_start3A_575 = arith.constant 0 : i32
        %dma_start3A_576 = tpu.memref_slice %arg18[%dma_start3A_574, %dma_start3A_575] : memref<128x128xf32, #tpu.memory_space<vmem>> -> memref<112x128xf32, #tpu.memory_space<vmem>>
        %dma_start3A_577 = arith.constant 0 : i32
        %dma_start3A_578 = tpu.memref_slice %arg8[%min3A_568, %dma_start3A_577] : memref<100000x128xf32, #tpu.memory_space<hbm>> -> memref<112x128xf32, #tpu.memory_space<hbm>>
        tpu.enqueue_dma source(%dma_start3A_578 : memref<112x128xf32, #tpu.memory_space<hbm>>) target(%dma_start3A_576 : memref<112x128xf32, #tpu.memory_space<vmem>>) target_semaphore(%arg22 : memref<!tpu.dma_semaphore, #tpu.memory_space<semaphore_mem>>)
      } else {
      }
      %mul3A_428 = arith.constant 4 : i32
      %mul3A_429 = arith.muli %add3A_388, %mul3A_428 : i32
      %add3A_430 = arith.constant 1 : i32
      %add3A_431 = arith.addi %mul3A_429, %add3A_430 : i32
      %add3A_432 = arith.constant 0 : i32
      %add3A_433 = arith.addi %mul3A_2, %add3A_432 : i32
      %min3A_434 = arith.constant 99888 : i32
      %min3A_435 = arith.minsi %add3A_433, %min3A_434 : i32
      %dma_wait3A_436 = arith.constant 0 : i32
      %dma_wait3A_437 = arith.constant 0 : i32
      %dma_wait3A_438 = tpu.memref_slice %arg19[%dma_wait3A_436, %dma_wait3A_437] : memref<128x128xf32, #tpu.memory_space<vmem>> -> memref<112x128xf32, #tpu.memory_space<vmem>>
      %dma_wait3A_439 = arith.constant 0 : i32
      %dma_wait3A_440 = tpu.memref_slice %arg8[%min3A_435, %dma_wait3A_439] : memref<100000x128xf32, #tpu.memory_space<hbm>> -> memref<112x128xf32, #tpu.memory_space<hbm>>
      %dma_wait3A_441 = arith.constant 0 : i32
      %dma_wait3A_442 = arith.constant 0 : i32
      %dma_wait3A_443 = tpu.memref_slice %arg19[%dma_wait3A_441, %dma_wait3A_442] : memref<128x128xf32, #tpu.memory_space<vmem>> -> memref<112x128xf32, #tpu.memory_space<vmem>>
      %dma_wait3A_444 = arith.constant 0 : i32
      %dma_wait3A_445 = tpu.memref_slice %arg8[%min3A_435, %dma_wait3A_444] : memref<100000x128xf32, #tpu.memory_space<hbm>> -> memref<112x128xf32, #tpu.memory_space<hbm>>
      tpu.wait_dma2 semaphore(%arg23 : memref<!tpu.dma_semaphore, #tpu.memory_space<semaphore_mem>>) src(%dma_wait3A_445 : memref<112x128xf32, #tpu.memory_space<hbm>>) dst(%dma_wait3A_443 : memref<112x128xf32, #tpu.memory_space<vmem>>)
      %mul3A_446 = arith.constant 112 : i32
      %mul3A_447 = arith.muli %add3A_431, %mul3A_446 : i32
      %add3A_448 = arith.addi %mul3A_2, %mul3A_447 : i32
      %min3A_449 = arith.constant 99888 : i32
      %min3A_450 = arith.minsi %add3A_448, %min3A_449 : i32
      %dma_start3A_451 = arith.constant 0 : i32
      %dma_start3A_452 = arith.constant 0 : i32
      %dma_start3A_453 = tpu.memref_slice %arg19[%dma_start3A_451, %dma_start3A_452] : memref<128x128xf32, #tpu.memory_space<vmem>> -> memref<112x128xf32, #tpu.memory_space<vmem>>
      %dma_start3A_454 = arith.constant 0 : i32
      %dma_start3A_455 = tpu.memref_slice %arg10[%min3A_450, %dma_start3A_454] : memref<120000x128xf32, #tpu.memory_space<hbm>> -> memref<112x128xf32, #tpu.memory_space<hbm>>
      %dma_start3A_456 = arith.constant 0 : i32
      %dma_start3A_457 = tpu.memref_slice %arg10[%min3A_450, %dma_start3A_456] : memref<120000x128xf32, #tpu.memory_space<hbm>> -> memref<112x128xf32, #tpu.memory_space<hbm>>
      %dma_start3A_458 = arith.constant 0 : i32
      %dma_start3A_459 = arith.constant 0 : i32
      %dma_start3A_460 = tpu.memref_slice %arg19[%dma_start3A_458, %dma_start3A_459] : memref<128x128xf32, #tpu.memory_space<vmem>> -> memref<112x128xf32, #tpu.memory_space<vmem>>
      tpu.enqueue_dma source(%dma_start3A_460 : memref<112x128xf32, #tpu.memory_space<vmem>>) target(%dma_start3A_457 : memref<112x128xf32, #tpu.memory_space<hbm>>) target_semaphore(%arg27 : memref<!tpu.dma_semaphore, #tpu.memory_space<semaphore_mem>>)
      %add3A_461 = arith.constant 4 : i32
      %add3A_462 = arith.addi %add3A_431, %add3A_461 : i32
      %lt3A_463 = arith.constant 28 : i32
      %lt3A_464 = arith.cmpi slt, %add3A_462, %lt3A_463 : i32
      %convert_element_type3A_465 = arith.extui %lt3A_464 : i1 to i32
      %cond3A_466 = arith.constant 0 : i32
      %cond3A_467 = arith.cmpi ne, %convert_element_type3A_465, %cond3A_466 : i32
      scf.if %cond3A_467 {
        %add3A_548 = arith.constant 0 : i32
        %add3A_549 = arith.addi %mul3A_2, %add3A_548 : i32
        %min3A_550 = arith.constant 99888 : i32
        %min3A_551 = arith.minsi %add3A_549, %min3A_550 : i32
        %dma_wait3A_552 = arith.constant 0 : i32
        %dma_wait3A_553 = arith.constant 0 : i32
        %dma_wait3A_554 = tpu.memref_slice %arg19[%dma_wait3A_552, %dma_wait3A_553] : memref<128x128xf32, #tpu.memory_space<vmem>> -> memref<112x128xf32, #tpu.memory_space<vmem>>
        %dma_wait3A_555 = arith.constant 0 : i32
        %dma_wait3A_556 = tpu.memref_slice %arg10[%min3A_551, %dma_wait3A_555] : memref<120000x128xf32, #tpu.memory_space<hbm>> -> memref<112x128xf32, #tpu.memory_space<hbm>>
        %dma_wait3A_557 = arith.constant 0 : i32
        %dma_wait3A_558 = tpu.memref_slice %arg10[%min3A_551, %dma_wait3A_557] : memref<120000x128xf32, #tpu.memory_space<hbm>> -> memref<112x128xf32, #tpu.memory_space<hbm>>
        %dma_wait3A_559 = arith.constant 0 : i32
        %dma_wait3A_560 = arith.constant 0 : i32
        %dma_wait3A_561 = tpu.memref_slice %arg19[%dma_wait3A_559, %dma_wait3A_560] : memref<128x128xf32, #tpu.memory_space<vmem>> -> memref<112x128xf32, #tpu.memory_space<vmem>>
        tpu.wait_dma2 semaphore(%arg27 : memref<!tpu.dma_semaphore, #tpu.memory_space<semaphore_mem>>) src(%dma_wait3A_561 : memref<112x128xf32, #tpu.memory_space<vmem>>) dst(%dma_wait3A_558 : memref<112x128xf32, #tpu.memory_space<hbm>>)
        %add3A_562 = arith.constant 4 : i32
        %add3A_563 = arith.addi %add3A_431, %add3A_562 : i32
        %mul3A_564 = arith.constant 112 : i32
        %mul3A_565 = arith.muli %add3A_563, %mul3A_564 : i32
        %add3A_566 = arith.addi %mul3A_2, %mul3A_565 : i32
        %min3A_567 = arith.constant 99888 : i32
        %min3A_568 = arith.minsi %add3A_566, %min3A_567 : i32
        %dma_start3A_569 = arith.constant 0 : i32
        %dma_start3A_570 = arith.constant 0 : i32
        %dma_start3A_571 = tpu.memref_slice %arg19[%dma_start3A_569, %dma_start3A_570] : memref<128x128xf32, #tpu.memory_space<vmem>> -> memref<112x128xf32, #tpu.memory_space<vmem>>
        %dma_start3A_572 = arith.constant 0 : i32
        %dma_start3A_573 = tpu.memref_slice %arg8[%min3A_568, %dma_start3A_572] : memref<100000x128xf32, #tpu.memory_space<hbm>> -> memref<112x128xf32, #tpu.memory_space<hbm>>
        %dma_start3A_574 = arith.constant 0 : i32
        %dma_start3A_575 = arith.constant 0 : i32
        %dma_start3A_576 = tpu.memref_slice %arg19[%dma_start3A_574, %dma_start3A_575] : memref<128x128xf32, #tpu.memory_space<vmem>> -> memref<112x128xf32, #tpu.memory_space<vmem>>
        %dma_start3A_577 = arith.constant 0 : i32
        %dma_start3A_578 = tpu.memref_slice %arg8[%min3A_568, %dma_start3A_577] : memref<100000x128xf32, #tpu.memory_space<hbm>> -> memref<112x128xf32, #tpu.memory_space<hbm>>
        tpu.enqueue_dma source(%dma_start3A_578 : memref<112x128xf32, #tpu.memory_space<hbm>>) target(%dma_start3A_576 : memref<112x128xf32, #tpu.memory_space<vmem>>) target_semaphore(%arg23 : memref<!tpu.dma_semaphore, #tpu.memory_space<semaphore_mem>>)
      } else {
      }
      %mul3A_468 = arith.constant 4 : i32
      %mul3A_469 = arith.muli %add3A_388, %mul3A_468 : i32
      %add3A_470 = arith.constant 2 : i32
      %add3A_471 = arith.addi %mul3A_469, %add3A_470 : i32
      %add3A_472 = arith.constant 0 : i32
      %add3A_473 = arith.addi %mul3A_2, %add3A_472 : i32
      %min3A_474 = arith.constant 99888 : i32
      %min3A_475 = arith.minsi %add3A_473, %min3A_474 : i32
      %dma_wait3A_476 = arith.constant 0 : i32
      %dma_wait3A_477 = arith.constant 0 : i32
      %dma_wait3A_478 = tpu.memref_slice %arg20[%dma_wait3A_476, %dma_wait3A_477] : memref<128x128xf32, #tpu.memory_space<vmem>> -> memref<112x128xf32, #tpu.memory_space<vmem>>
      %dma_wait3A_479 = arith.constant 0 : i32
      %dma_wait3A_480 = tpu.memref_slice %arg8[%min3A_475, %dma_wait3A_479] : memref<100000x128xf32, #tpu.memory_space<hbm>> -> memref<112x128xf32, #tpu.memory_space<hbm>>
      %dma_wait3A_481 = arith.constant 0 : i32
      %dma_wait3A_482 = arith.constant 0 : i32
      %dma_wait3A_483 = tpu.memref_slice %arg20[%dma_wait3A_481, %dma_wait3A_482] : memref<128x128xf32, #tpu.memory_space<vmem>> -> memref<112x128xf32, #tpu.memory_space<vmem>>
      %dma_wait3A_484 = arith.constant 0 : i32
      %dma_wait3A_485 = tpu.memref_slice %arg8[%min3A_475, %dma_wait3A_484] : memref<100000x128xf32, #tpu.memory_space<hbm>> -> memref<112x128xf32, #tpu.memory_space<hbm>>
      tpu.wait_dma2 semaphore(%arg24 : memref<!tpu.dma_semaphore, #tpu.memory_space<semaphore_mem>>) src(%dma_wait3A_485 : memref<112x128xf32, #tpu.memory_space<hbm>>) dst(%dma_wait3A_483 : memref<112x128xf32, #tpu.memory_space<vmem>>)
      %mul3A_486 = arith.constant 112 : i32
      %mul3A_487 = arith.muli %add3A_471, %mul3A_486 : i32
      %add3A_488 = arith.addi %mul3A_2, %mul3A_487 : i32
      %min3A_489 = arith.constant 99888 : i32
      %min3A_490 = arith.minsi %add3A_488, %min3A_489 : i32
      %dma_start3A_491 = arith.constant 0 : i32
      %dma_start3A_492 = arith.constant 0 : i32
      %dma_start3A_493 = tpu.memref_slice %arg20[%dma_start3A_491, %dma_start3A_492] : memref<128x128xf32, #tpu.memory_space<vmem>> -> memref<112x128xf32, #tpu.memory_space<vmem>>
      %dma_start3A_494 = arith.constant 0 : i32
      %dma_start3A_495 = tpu.memref_slice %arg10[%min3A_490, %dma_start3A_494] : memref<120000x128xf32, #tpu.memory_space<hbm>> -> memref<112x128xf32, #tpu.memory_space<hbm>>
      %dma_start3A_496 = arith.constant 0 : i32
      %dma_start3A_497 = tpu.memref_slice %arg10[%min3A_490, %dma_start3A_496] : memref<120000x128xf32, #tpu.memory_space<hbm>> -> memref<112x128xf32, #tpu.memory_space<hbm>>
      %dma_start3A_498 = arith.constant 0 : i32
      %dma_start3A_499 = arith.constant 0 : i32
      %dma_start3A_500 = tpu.memref_slice %arg20[%dma_start3A_498, %dma_start3A_499] : memref<128x128xf32, #tpu.memory_space<vmem>> -> memref<112x128xf32, #tpu.memory_space<vmem>>
      tpu.enqueue_dma source(%dma_start3A_500 : memref<112x128xf32, #tpu.memory_space<vmem>>) target(%dma_start3A_497 : memref<112x128xf32, #tpu.memory_space<hbm>>) target_semaphore(%arg28 : memref<!tpu.dma_semaphore, #tpu.memory_space<semaphore_mem>>)
      %add3A_501 = arith.constant 4 : i32
      %add3A_502 = arith.addi %add3A_471, %add3A_501 : i32
      %lt3A_503 = arith.constant 28 : i32
      %lt3A_504 = arith.cmpi slt, %add3A_502, %lt3A_503 : i32
      %convert_element_type3A_505 = arith.extui %lt3A_504 : i1 to i32
      %cond3A_506 = arith.constant 0 : i32
      %cond3A_507 = arith.cmpi ne, %convert_element_type3A_505, %cond3A_506 : i32
      scf.if %cond3A_507 {
        %add3A_548 = arith.constant 0 : i32
        %add3A_549 = arith.addi %mul3A_2, %add3A_548 : i32
        %min3A_550 = arith.constant 99888 : i32
        %min3A_551 = arith.minsi %add3A_549, %min3A_550 : i32
        %dma_wait3A_552 = arith.constant 0 : i32
        %dma_wait3A_553 = arith.constant 0 : i32
        %dma_wait3A_554 = tpu.memref_slice %arg20[%dma_wait3A_552, %dma_wait3A_553] : memref<128x128xf32, #tpu.memory_space<vmem>> -> memref<112x128xf32, #tpu.memory_space<vmem>>
        %dma_wait3A_555 = arith.constant 0 : i32
        %dma_wait3A_556 = tpu.memref_slice %arg10[%min3A_551, %dma_wait3A_555] : memref<120000x128xf32, #tpu.memory_space<hbm>> -> memref<112x128xf32, #tpu.memory_space<hbm>>
        %dma_wait3A_557 = arith.constant 0 : i32
        %dma_wait3A_558 = tpu.memref_slice %arg10[%min3A_551, %dma_wait3A_557] : memref<120000x128xf32, #tpu.memory_space<hbm>> -> memref<112x128xf32, #tpu.memory_space<hbm>>
        %dma_wait3A_559 = arith.constant 0 : i32
        %dma_wait3A_560 = arith.constant 0 : i32
        %dma_wait3A_561 = tpu.memref_slice %arg20[%dma_wait3A_559, %dma_wait3A_560] : memref<128x128xf32, #tpu.memory_space<vmem>> -> memref<112x128xf32, #tpu.memory_space<vmem>>
        tpu.wait_dma2 semaphore(%arg28 : memref<!tpu.dma_semaphore, #tpu.memory_space<semaphore_mem>>) src(%dma_wait3A_561 : memref<112x128xf32, #tpu.memory_space<vmem>>) dst(%dma_wait3A_558 : memref<112x128xf32, #tpu.memory_space<hbm>>)
        %add3A_562 = arith.constant 4 : i32
        %add3A_563 = arith.addi %add3A_471, %add3A_562 : i32
        %mul3A_564 = arith.constant 112 : i32
        %mul3A_565 = arith.muli %add3A_563, %mul3A_564 : i32
        %add3A_566 = arith.addi %mul3A_2, %mul3A_565 : i32
        %min3A_567 = arith.constant 99888 : i32
        %min3A_568 = arith.minsi %add3A_566, %min3A_567 : i32
        %dma_start3A_569 = arith.constant 0 : i32
        %dma_start3A_570 = arith.constant 0 : i32
        %dma_start3A_571 = tpu.memref_slice %arg20[%dma_start3A_569, %dma_start3A_570] : memref<128x128xf32, #tpu.memory_space<vmem>> -> memref<112x128xf32, #tpu.memory_space<vmem>>
        %dma_start3A_572 = arith.constant 0 : i32
        %dma_start3A_573 = tpu.memref_slice %arg8[%min3A_568, %dma_start3A_572] : memref<100000x128xf32, #tpu.memory_space<hbm>> -> memref<112x128xf32, #tpu.memory_space<hbm>>
        %dma_start3A_574 = arith.constant 0 : i32
        %dma_start3A_575 = arith.constant 0 : i32
        %dma_start3A_576 = tpu.memref_slice %arg20[%dma_start3A_574, %dma_start3A_575] : memref<128x128xf32, #tpu.memory_space<vmem>> -> memref<112x128xf32, #tpu.memory_space<vmem>>
        %dma_start3A_577 = arith.constant 0 : i32
        %dma_start3A_578 = tpu.memref_slice %arg8[%min3A_568, %dma_start3A_577] : memref<100000x128xf32, #tpu.memory_space<hbm>> -> memref<112x128xf32, #tpu.memory_space<hbm>>
        tpu.enqueue_dma source(%dma_start3A_578 : memref<112x128xf32, #tpu.memory_space<hbm>>) target(%dma_start3A_576 : memref<112x128xf32, #tpu.memory_space<vmem>>) target_semaphore(%arg24 : memref<!tpu.dma_semaphore, #tpu.memory_space<semaphore_mem>>)
      } else {
      }
      %mul3A_508 = arith.constant 4 : i32
      %mul3A_509 = arith.muli %add3A_388, %mul3A_508 : i32
      %add3A_510 = arith.constant 3 : i32
      %add3A_511 = arith.addi %mul3A_509, %add3A_510 : i32
      %add3A_512 = arith.constant 0 : i32
      %add3A_513 = arith.addi %mul3A_2, %add3A_512 : i32
      %min3A_514 = arith.constant 99888 : i32
      %min3A_515 = arith.minsi %add3A_513, %min3A_514 : i32
      %dma_wait3A_516 = arith.constant 0 : i32
      %dma_wait3A_517 = arith.constant 0 : i32
      %dma_wait3A_518 = tpu.memref_slice %arg21[%dma_wait3A_516, %dma_wait3A_517] : memref<128x128xf32, #tpu.memory_space<vmem>> -> memref<112x128xf32, #tpu.memory_space<vmem>>
      %dma_wait3A_519 = arith.constant 0 : i32
      %dma_wait3A_520 = tpu.memref_slice %arg8[%min3A_515, %dma_wait3A_519] : memref<100000x128xf32, #tpu.memory_space<hbm>> -> memref<112x128xf32, #tpu.memory_space<hbm>>
      %dma_wait3A_521 = arith.constant 0 : i32
      %dma_wait3A_522 = arith.constant 0 : i32
      %dma_wait3A_523 = tpu.memref_slice %arg21[%dma_wait3A_521, %dma_wait3A_522] : memref<128x128xf32, #tpu.memory_space<vmem>> -> memref<112x128xf32, #tpu.memory_space<vmem>>
      %dma_wait3A_524 = arith.constant 0 : i32
      %dma_wait3A_525 = tpu.memref_slice %arg8[%min3A_515, %dma_wait3A_524] : memref<100000x128xf32, #tpu.memory_space<hbm>> -> memref<112x128xf32, #tpu.memory_space<hbm>>
      tpu.wait_dma2 semaphore(%arg25 : memref<!tpu.dma_semaphore, #tpu.memory_space<semaphore_mem>>) src(%dma_wait3A_525 : memref<112x128xf32, #tpu.memory_space<hbm>>) dst(%dma_wait3A_523 : memref<112x128xf32, #tpu.memory_space<vmem>>)
      %mul3A_526 = arith.constant 112 : i32
      %mul3A_527 = arith.muli %add3A_511, %mul3A_526 : i32
      %add3A_528 = arith.addi %mul3A_2, %mul3A_527 : i32
      %min3A_529 = arith.constant 99888 : i32
      %min3A_530 = arith.minsi %add3A_528, %min3A_529 : i32
      %dma_start3A_531 = arith.constant 0 : i32
      %dma_start3A_532 = arith.constant 0 : i32
      %dma_start3A_533 = tpu.memref_slice %arg21[%dma_start3A_531, %dma_start3A_532] : memref<128x128xf32, #tpu.memory_space<vmem>> -> memref<112x128xf32, #tpu.memory_space<vmem>>
      %dma_start3A_534 = arith.constant 0 : i32
      %dma_start3A_535 = tpu.memref_slice %arg10[%min3A_530, %dma_start3A_534] : memref<120000x128xf32, #tpu.memory_space<hbm>> -> memref<112x128xf32, #tpu.memory_space<hbm>>
      %dma_start3A_536 = arith.constant 0 : i32
      %dma_start3A_537 = tpu.memref_slice %arg10[%min3A_530, %dma_start3A_536] : memref<120000x128xf32, #tpu.memory_space<hbm>> -> memref<112x128xf32, #tpu.memory_space<hbm>>
      %dma_start3A_538 = arith.constant 0 : i32
      %dma_start3A_539 = arith.constant 0 : i32
      %dma_start3A_540 = tpu.memref_slice %arg21[%dma_start3A_538, %dma_start3A_539] : memref<128x128xf32, #tpu.memory_space<vmem>> -> memref<112x128xf32, #tpu.memory_space<vmem>>
      tpu.enqueue_dma source(%dma_start3A_540 : memref<112x128xf32, #tpu.memory_space<vmem>>) target(%dma_start3A_537 : memref<112x128xf32, #tpu.memory_space<hbm>>) target_semaphore(%arg29 : memref<!tpu.dma_semaphore, #tpu.memory_space<semaphore_mem>>)
      %add3A_541 = arith.constant 4 : i32
      %add3A_542 = arith.addi %add3A_511, %add3A_541 : i32
      %lt3A_543 = arith.constant 28 : i32
      %lt3A_544 = arith.cmpi slt, %add3A_542, %lt3A_543 : i32
      %convert_element_type3A_545 = arith.extui %lt3A_544 : i1 to i32
      %cond3A_546 = arith.constant 0 : i32
      %cond3A_547 = arith.cmpi ne, %convert_element_type3A_545, %cond3A_546 : i32
      scf.if %cond3A_547 {
        %add3A_548 = arith.constant 0 : i32
        %add3A_549 = arith.addi %mul3A_2, %add3A_548 : i32
        %min3A_550 = arith.constant 99888 : i32
        %min3A_551 = arith.minsi %add3A_549, %min3A_550 : i32
        %dma_wait3A_552 = arith.constant 0 : i32
        %dma_wait3A_553 = arith.constant 0 : i32
        %dma_wait3A_554 = tpu.memref_slice %arg21[%dma_wait3A_552, %dma_wait3A_553] : memref<128x128xf32, #tpu.memory_space<vmem>> -> memref<112x128xf32, #tpu.memory_space<vmem>>
        %dma_wait3A_555 = arith.constant 0 : i32
        %dma_wait3A_556 = tpu.memref_slice %arg10[%min3A_551, %dma_wait3A_555] : memref<120000x128xf32, #tpu.memory_space<hbm>> -> memref<112x128xf32, #tpu.memory_space<hbm>>
        %dma_wait3A_557 = arith.constant 0 : i32
        %dma_wait3A_558 = tpu.memref_slice %arg10[%min3A_551, %dma_wait3A_557] : memref<120000x128xf32, #tpu.memory_space<hbm>> -> memref<112x128xf32, #tpu.memory_space<hbm>>
        %dma_wait3A_559 = arith.constant 0 : i32
        %dma_wait3A_560 = arith.constant 0 : i32
        %dma_wait3A_561 = tpu.memref_slice %arg21[%dma_wait3A_559, %dma_wait3A_560] : memref<128x128xf32, #tpu.memory_space<vmem>> -> memref<112x128xf32, #tpu.memory_space<vmem>>
        tpu.wait_dma2 semaphore(%arg29 : memref<!tpu.dma_semaphore, #tpu.memory_space<semaphore_mem>>) src(%dma_wait3A_561 : memref<112x128xf32, #tpu.memory_space<vmem>>) dst(%dma_wait3A_558 : memref<112x128xf32, #tpu.memory_space<hbm>>)
        %add3A_562 = arith.constant 4 : i32
        %add3A_563 = arith.addi %add3A_511, %add3A_562 : i32
        %mul3A_564 = arith.constant 112 : i32
        %mul3A_565 = arith.muli %add3A_563, %mul3A_564 : i32
        %add3A_566 = arith.addi %mul3A_2, %mul3A_565 : i32
        %min3A_567 = arith.constant 99888 : i32
        %min3A_568 = arith.minsi %add3A_566, %min3A_567 : i32
        %dma_start3A_569 = arith.constant 0 : i32
        %dma_start3A_570 = arith.constant 0 : i32
        %dma_start3A_571 = tpu.memref_slice %arg21[%dma_start3A_569, %dma_start3A_570] : memref<128x128xf32, #tpu.memory_space<vmem>> -> memref<112x128xf32, #tpu.memory_space<vmem>>
        %dma_start3A_572 = arith.constant 0 : i32
        %dma_start3A_573 = tpu.memref_slice %arg8[%min3A_568, %dma_start3A_572] : memref<100000x128xf32, #tpu.memory_space<hbm>> -> memref<112x128xf32, #tpu.memory_space<hbm>>
        %dma_start3A_574 = arith.constant 0 : i32
        %dma_start3A_575 = arith.constant 0 : i32
        %dma_start3A_576 = tpu.memref_slice %arg21[%dma_start3A_574, %dma_start3A_575] : memref<128x128xf32, #tpu.memory_space<vmem>> -> memref<112x128xf32, #tpu.memory_space<vmem>>
        %dma_start3A_577 = arith.constant 0 : i32
        %dma_start3A_578 = tpu.memref_slice %arg8[%min3A_568, %dma_start3A_577] : memref<100000x128xf32, #tpu.memory_space<hbm>> -> memref<112x128xf32, #tpu.memory_space<hbm>>
        tpu.enqueue_dma source(%dma_start3A_578 : memref<112x128xf32, #tpu.memory_space<hbm>>) target(%dma_start3A_576 : memref<112x128xf32, #tpu.memory_space<vmem>>) target_semaphore(%arg25 : memref<!tpu.dma_semaphore, #tpu.memory_space<semaphore_mem>>)
      } else {
      }
    }
    %scan3A_97 = arith.constant 7 : i32
    %add3A_98 = arith.constant 0 : i32
    %add3A_99 = arith.addi %mul3A_2, %add3A_98 : i32
    %min3A_100 = arith.constant 99888 : i32
    %min3A_101 = arith.minsi %add3A_99, %min3A_100 : i32
    %dma_wait3A_102 = arith.constant 0 : i32
    %dma_wait3A_103 = arith.constant 0 : i32
    %dma_wait3A_104 = tpu.memref_slice %arg18[%dma_wait3A_102, %dma_wait3A_103] : memref<128x128xf32, #tpu.memory_space<vmem>> -> memref<112x128xf32, #tpu.memory_space<vmem>>
    %dma_wait3A_105 = arith.constant 0 : i32
    %dma_wait3A_106 = tpu.memref_slice %arg10[%min3A_101, %dma_wait3A_105] : memref<120000x128xf32, #tpu.memory_space<hbm>> -> memref<112x128xf32, #tpu.memory_space<hbm>>
    %dma_wait3A_107 = arith.constant 0 : i32
    %dma_wait3A_108 = tpu.memref_slice %arg10[%min3A_101, %dma_wait3A_107] : memref<120000x128xf32, #tpu.memory_space<hbm>> -> memref<112x128xf32, #tpu.memory_space<hbm>>
    %dma_wait3A_109 = arith.constant 0 : i32
    %dma_wait3A_110 = arith.constant 0 : i32
    %dma_wait3A_111 = tpu.memref_slice %arg18[%dma_wait3A_109, %dma_wait3A_110] : memref<128x128xf32, #tpu.memory_space<vmem>> -> memref<112x128xf32, #tpu.memory_space<vmem>>
    tpu.wait_dma2 semaphore(%arg26 : memref<!tpu.dma_semaphore, #tpu.memory_space<semaphore_mem>>) src(%dma_wait3A_111 : memref<112x128xf32, #tpu.memory_space<vmem>>) dst(%dma_wait3A_108 : memref<112x128xf32, #tpu.memory_space<hbm>>)
    %add3A_112 = arith.constant 0 : i32
    %add3A_113 = arith.addi %mul3A_2, %add3A_112 : i32
    %min3A_114 = arith.constant 99888 : i32
    %min3A_115 = arith.minsi %add3A_113, %min3A_114 : i32
    %dma_wait3A_116 = arith.constant 0 : i32
    %dma_wait3A_117 = arith.constant 0 : i32
    %dma_wait3A_118 = tpu.memref_slice %arg19[%dma_wait3A_116, %dma_wait3A_117] : memref<128x128xf32, #tpu.memory_space<vmem>> -> memref<112x128xf32, #tpu.memory_space<vmem>>
    %dma_wait3A_119 = arith.constant 0 : i32
    %dma_wait3A_120 = tpu.memref_slice %arg10[%min3A_115, %dma_wait3A_119] : memref<120000x128xf32, #tpu.memory_space<hbm>> -> memref<112x128xf32, #tpu.memory_space<hbm>>
    %dma_wait3A_121 = arith.constant 0 : i32
    %dma_wait3A_122 = tpu.memref_slice %arg10[%min3A_115, %dma_wait3A_121] : memref<120000x128xf32, #tpu.memory_space<hbm>> -> memref<112x128xf32, #tpu.memory_space<hbm>>
    %dma_wait3A_123 = arith.constant 0 : i32
    %dma_wait3A_124 = arith.constant 0 : i32
    %dma_wait3A_125 = tpu.memref_slice %arg19[%dma_wait3A_123, %dma_wait3A_124] : memref<128x128xf32, #tpu.memory_space<vmem>> -> memref<112x128xf32, #tpu.memory_space<vmem>>
    tpu.wait_dma2 semaphore(%arg27 : memref<!tpu.dma_semaphore, #tpu.memory_space<semaphore_mem>>) src(%dma_wait3A_125 : memref<112x128xf32, #tpu.memory_space<vmem>>) dst(%dma_wait3A_122 : memref<112x128xf32, #tpu.memory_space<hbm>>)
    %add3A_126 = arith.constant 0 : i32
    %add3A_127 = arith.addi %mul3A_2, %add3A_126 : i32
    %min3A_128 = arith.constant 99888 : i32
    %min3A_129 = arith.minsi %add3A_127, %min3A_128 : i32
    %dma_wait3A_130 = arith.constant 0 : i32
    %dma_wait3A_131 = arith.constant 0 : i32
    %dma_wait3A_132 = tpu.memref_slice %arg20[%dma_wait3A_130, %dma_wait3A_131] : memref<128x128xf32, #tpu.memory_space<vmem>> -> memref<112x128xf32, #tpu.memory_space<vmem>>
    %dma_wait3A_133 = arith.constant 0 : i32
    %dma_wait3A_134 = tpu.memref_slice %arg10[%min3A_129, %dma_wait3A_133] : memref<120000x128xf32, #tpu.memory_space<hbm>> -> memref<112x128xf32, #tpu.memory_space<hbm>>
    %dma_wait3A_135 = arith.constant 0 : i32
    %dma_wait3A_136 = tpu.memref_slice %arg10[%min3A_129, %dma_wait3A_135] : memref<120000x128xf32, #tpu.memory_space<hbm>> -> memref<112x128xf32, #tpu.memory_space<hbm>>
    %dma_wait3A_137 = arith.constant 0 : i32
    %dma_wait3A_138 = arith.constant 0 : i32
    %dma_wait3A_139 = tpu.memref_slice %arg20[%dma_wait3A_137, %dma_wait3A_138] : memref<128x128xf32, #tpu.memory_space<vmem>> -> memref<112x128xf32, #tpu.memory_space<vmem>>
    tpu.wait_dma2 semaphore(%arg28 : memref<!tpu.dma_semaphore, #tpu.memory_space<semaphore_mem>>) src(%dma_wait3A_139 : memref<112x128xf32, #tpu.memory_space<vmem>>) dst(%dma_wait3A_136 : memref<112x128xf32, #tpu.memory_space<hbm>>)
    %add3A_140 = arith.constant 0 : i32
    %add3A_141 = arith.addi %mul3A_2, %add3A_140 : i32
    %min3A_142 = arith.constant 99888 : i32
    %min3A_143 = arith.minsi %add3A_141, %min3A_142 : i32
    %dma_wait3A_144 = arith.constant 0 : i32
    %dma_wait3A_145 = arith.constant 0 : i32
    %dma_wait3A_146 = tpu.memref_slice %arg21[%dma_wait3A_144, %dma_wait3A_145] : memref<128x128xf32, #tpu.memory_space<vmem>> -> memref<112x128xf32, #tpu.memory_space<vmem>>
    %dma_wait3A_147 = arith.constant 0 : i32
    %dma_wait3A_148 = tpu.memref_slice %arg10[%min3A_143, %dma_wait3A_147] : memref<120000x128xf32, #tpu.memory_space<hbm>> -> memref<112x128xf32, #tpu.memory_space<hbm>>
    %dma_wait3A_149 = arith.constant 0 : i32
    %dma_wait3A_150 = tpu.memref_slice %arg10[%min3A_143, %dma_wait3A_149] : memref<120000x128xf32, #tpu.memory_space<hbm>> -> memref<112x128xf32, #tpu.memory_space<hbm>>
    %dma_wait3A_151 = arith.constant 0 : i32
    %dma_wait3A_152 = arith.constant 0 : i32
    %dma_wait3A_153 = tpu.memref_slice %arg21[%dma_wait3A_151, %dma_wait3A_152] : memref<128x128xf32, #tpu.memory_space<vmem>> -> memref<112x128xf32, #tpu.memory_space<vmem>>
    tpu.wait_dma2 semaphore(%arg29 : memref<!tpu.dma_semaphore, #tpu.memory_space<semaphore_mem>>) src(%dma_wait3A_153 : memref<112x128xf32, #tpu.memory_space<vmem>>) dst(%dma_wait3A_150 : memref<112x128xf32, #tpu.memory_space<hbm>>)
    %add3A_154 = arith.constant 0 : i32
    %add3A_155 = arith.addi %mul3A_5, %add3A_154 : i32
    %min3A_156 = arith.constant 19872 : i32
    %min3A_157 = arith.minsi %add3A_155, %min3A_156 : i32
    %dma_start3A_158 = arith.constant 0 : i32
    %dma_start3A_159 = tpu.memref_slice %arg9[%min3A_157, %dma_start3A_158] : memref<20000x128xf32, #tpu.memory_space<hbm>> -> memref<128x128xf32, #tpu.memory_space<hbm>>
    %dma_start3A_160 = arith.constant 0 : i32
    %dma_start3A_161 = tpu.memref_slice %arg9[%min3A_157, %dma_start3A_160] : memref<20000x128xf32, #tpu.memory_space<hbm>> -> memref<128x128xf32, #tpu.memory_space<hbm>>
    tpu.enqueue_dma source(%dma_start3A_161 : memref<128x128xf32, #tpu.memory_space<hbm>>) target(%arg18 : memref<128x128xf32, #tpu.memory_space<vmem>>) target_semaphore(%arg22 : memref<!tpu.dma_semaphore, #tpu.memory_space<semaphore_mem>>)
    %add3A_162 = arith.constant 128 : i32
    %add3A_163 = arith.addi %mul3A_5, %add3A_162 : i32
    %min3A_164 = arith.constant 19872 : i32
    %min3A_165 = arith.minsi %add3A_163, %min3A_164 : i32
    %dma_start3A_166 = arith.constant 0 : i32
    %dma_start3A_167 = tpu.memref_slice %arg9[%min3A_165, %dma_start3A_166] : memref<20000x128xf32, #tpu.memory_space<hbm>> -> memref<128x128xf32, #tpu.memory_space<hbm>>
    %dma_start3A_168 = arith.constant 0 : i32
    %dma_start3A_169 = tpu.memref_slice %arg9[%min3A_165, %dma_start3A_168] : memref<20000x128xf32, #tpu.memory_space<hbm>> -> memref<128x128xf32, #tpu.memory_space<hbm>>
    tpu.enqueue_dma source(%dma_start3A_169 : memref<128x128xf32, #tpu.memory_space<hbm>>) target(%arg19 : memref<128x128xf32, #tpu.memory_space<vmem>>) target_semaphore(%arg23 : memref<!tpu.dma_semaphore, #tpu.memory_space<semaphore_mem>>)
    %add3A_170 = arith.constant 256 : i32
    %add3A_171 = arith.addi %mul3A_5, %add3A_170 : i32
    %min3A_172 = arith.constant 19872 : i32
    %min3A_173 = arith.minsi %add3A_171, %min3A_172 : i32
    %dma_start3A_174 = arith.constant 0 : i32
    %dma_start3A_175 = tpu.memref_slice %arg9[%min3A_173, %dma_start3A_174] : memref<20000x128xf32, #tpu.memory_space<hbm>> -> memref<128x128xf32, #tpu.memory_space<hbm>>
    %dma_start3A_176 = arith.constant 0 : i32
    %dma_start3A_177 = tpu.memref_slice %arg9[%min3A_173, %dma_start3A_176] : memref<20000x128xf32, #tpu.memory_space<hbm>> -> memref<128x128xf32, #tpu.memory_space<hbm>>
    tpu.enqueue_dma source(%dma_start3A_177 : memref<128x128xf32, #tpu.memory_space<hbm>>) target(%arg20 : memref<128x128xf32, #tpu.memory_space<vmem>>) target_semaphore(%arg24 : memref<!tpu.dma_semaphore, #tpu.memory_space<semaphore_mem>>)
    %add3A_178 = arith.constant 384 : i32
    %add3A_179 = arith.addi %mul3A_5, %add3A_178 : i32
    %min3A_180 = arith.constant 19872 : i32
    %min3A_181 = arith.minsi %add3A_179, %min3A_180 : i32
    %dma_start3A_182 = arith.constant 0 : i32
    %dma_start3A_183 = tpu.memref_slice %arg9[%min3A_181, %dma_start3A_182] : memref<20000x128xf32, #tpu.memory_space<hbm>> -> memref<128x128xf32, #tpu.memory_space<hbm>>
    %dma_start3A_184 = arith.constant 0 : i32
    %dma_start3A_185 = tpu.memref_slice %arg9[%min3A_181, %dma_start3A_184] : memref<20000x128xf32, #tpu.memory_space<hbm>> -> memref<128x128xf32, #tpu.memory_space<hbm>>
    tpu.enqueue_dma source(%dma_start3A_185 : memref<128x128xf32, #tpu.memory_space<hbm>>) target(%arg21 : memref<128x128xf32, #tpu.memory_space<vmem>>) target_semaphore(%arg25 : memref<!tpu.dma_semaphore, #tpu.memory_space<semaphore_mem>>)
    %add3A_186 = arith.constant 0 : i32
    %add3A_187 = arith.addi %mul3A_5, %add3A_186 : i32
    %min3A_188 = arith.constant 19872 : i32
    %min3A_189 = arith.minsi %add3A_187, %min3A_188 : i32
    %dma_wait3A_190 = arith.constant 0 : i32
    %dma_wait3A_191 = tpu.memref_slice %arg9[%min3A_189, %dma_wait3A_190] : memref<20000x128xf32, #tpu.memory_space<hbm>> -> memref<128x128xf32, #tpu.memory_space<hbm>>
    %dma_wait3A_192 = arith.constant 0 : i32
    %dma_wait3A_193 = tpu.memref_slice %arg9[%min3A_189, %dma_wait3A_192] : memref<20000x128xf32, #tpu.memory_space<hbm>> -> memref<128x128xf32, #tpu.memory_space<hbm>>
    tpu.wait_dma2 semaphore(%arg22 : memref<!tpu.dma_semaphore, #tpu.memory_space<semaphore_mem>>) src(%dma_wait3A_193 : memref<128x128xf32, #tpu.memory_space<hbm>>) dst(%arg18 : memref<128x128xf32, #tpu.memory_space<vmem>>)
    %add3A_194 = arith.constant 0 : i32
    %add3A_195 = arith.addi %mul3A_5, %add3A_194 : i32
    %min3A_196 = arith.constant 19872 : i32
    %min3A_197 = arith.minsi %add3A_195, %min3A_196 : i32
    %add3A_198 = arith.constant 100000 : i32
    %add3A_199 = arith.addi %add3A_198, %min3A_197 : i32
    %dma_start3A_200 = arith.constant 0 : i32
    %dma_start3A_201 = tpu.memref_slice %arg10[%add3A_199, %dma_start3A_200] : memref<120000x128xf32, #tpu.memory_space<hbm>> -> memref<128x128xf32, #tpu.memory_space<hbm>>
    %dma_start3A_202 = arith.constant 0 : i32
    %dma_start3A_203 = tpu.memref_slice %arg10[%add3A_199, %dma_start3A_202] : memref<120000x128xf32, #tpu.memory_space<hbm>> -> memref<128x128xf32, #tpu.memory_space<hbm>>
    tpu.enqueue_dma source(%arg18 : memref<128x128xf32, #tpu.memory_space<vmem>>) target(%dma_start3A_203 : memref<128x128xf32, #tpu.memory_space<hbm>>) target_semaphore(%arg26 : memref<!tpu.dma_semaphore, #tpu.memory_space<semaphore_mem>>)
    %add3A_204 = arith.constant 0 : i32
    %add3A_205 = arith.addi %mul3A_5, %add3A_204 : i32
    %min3A_206 = arith.constant 19872 : i32
    %min3A_207 = arith.minsi %add3A_205, %min3A_206 : i32
    %add3A_208 = arith.constant 100000 : i32
    %add3A_209 = arith.addi %add3A_208, %min3A_207 : i32
    %dma_wait3A_210 = arith.constant 0 : i32
    %dma_wait3A_211 = tpu.memref_slice %arg10[%add3A_209, %dma_wait3A_210] : memref<120000x128xf32, #tpu.memory_space<hbm>> -> memref<128x128xf32, #tpu.memory_space<hbm>>
    %dma_wait3A_212 = arith.constant 0 : i32
    %dma_wait3A_213 = tpu.memref_slice %arg10[%add3A_209, %dma_wait3A_212] : memref<120000x128xf32, #tpu.memory_space<hbm>> -> memref<128x128xf32, #tpu.memory_space<hbm>>
    tpu.wait_dma2 semaphore(%arg26 : memref<!tpu.dma_semaphore, #tpu.memory_space<semaphore_mem>>) src(%arg18 : memref<128x128xf32, #tpu.memory_space<vmem>>) dst(%dma_wait3A_213 : memref<128x128xf32, #tpu.memory_space<hbm>>)
    %add3A_214 = arith.constant 512 : i32
    %add3A_215 = arith.addi %mul3A_5, %add3A_214 : i32
    %min3A_216 = arith.constant 19872 : i32
    %min3A_217 = arith.minsi %add3A_215, %min3A_216 : i32
    %dma_start3A_218 = arith.constant 0 : i32
    %dma_start3A_219 = tpu.memref_slice %arg9[%min3A_217, %dma_start3A_218] : memref<20000x128xf32, #tpu.memory_space<hbm>> -> memref<128x128xf32, #tpu.memory_space<hbm>>
    %dma_start3A_220 = arith.constant 0 : i32
    %dma_start3A_221 = tpu.memref_slice %arg9[%min3A_217, %dma_start3A_220] : memref<20000x128xf32, #tpu.memory_space<hbm>> -> memref<128x128xf32, #tpu.memory_space<hbm>>
    tpu.enqueue_dma source(%dma_start3A_221 : memref<128x128xf32, #tpu.memory_space<hbm>>) target(%arg18 : memref<128x128xf32, #tpu.memory_space<vmem>>) target_semaphore(%arg22 : memref<!tpu.dma_semaphore, #tpu.memory_space<semaphore_mem>>)
    %add3A_222 = arith.constant 0 : i32
    %add3A_223 = arith.addi %mul3A_5, %add3A_222 : i32
    %min3A_224 = arith.constant 19872 : i32
    %min3A_225 = arith.minsi %add3A_223, %min3A_224 : i32
    %dma_wait3A_226 = arith.constant 0 : i32
    %dma_wait3A_227 = tpu.memref_slice %arg9[%min3A_225, %dma_wait3A_226] : memref<20000x128xf32, #tpu.memory_space<hbm>> -> memref<128x128xf32, #tpu.memory_space<hbm>>
    %dma_wait3A_228 = arith.constant 0 : i32
    %dma_wait3A_229 = tpu.memref_slice %arg9[%min3A_225, %dma_wait3A_228] : memref<20000x128xf32, #tpu.memory_space<hbm>> -> memref<128x128xf32, #tpu.memory_space<hbm>>
    tpu.wait_dma2 semaphore(%arg23 : memref<!tpu.dma_semaphore, #tpu.memory_space<semaphore_mem>>) src(%dma_wait3A_229 : memref<128x128xf32, #tpu.memory_space<hbm>>) dst(%arg19 : memref<128x128xf32, #tpu.memory_space<vmem>>)
    %add3A_230 = arith.constant 128 : i32
    %add3A_231 = arith.addi %mul3A_5, %add3A_230 : i32
    %min3A_232 = arith.constant 19872 : i32
    %min3A_233 = arith.minsi %add3A_231, %min3A_232 : i32
    %add3A_234 = arith.constant 100000 : i32
    %add3A_235 = arith.addi %add3A_234, %min3A_233 : i32
    %dma_start3A_236 = arith.constant 0 : i32
    %dma_start3A_237 = tpu.memref_slice %arg10[%add3A_235, %dma_start3A_236] : memref<120000x128xf32, #tpu.memory_space<hbm>> -> memref<128x128xf32, #tpu.memory_space<hbm>>
    %dma_start3A_238 = arith.constant 0 : i32
    %dma_start3A_239 = tpu.memref_slice %arg10[%add3A_235, %dma_start3A_238] : memref<120000x128xf32, #tpu.memory_space<hbm>> -> memref<128x128xf32, #tpu.memory_space<hbm>>
    tpu.enqueue_dma source(%arg19 : memref<128x128xf32, #tpu.memory_space<vmem>>) target(%dma_start3A_239 : memref<128x128xf32, #tpu.memory_space<hbm>>) target_semaphore(%arg27 : memref<!tpu.dma_semaphore, #tpu.memory_space<semaphore_mem>>)
    %add3A_240 = arith.constant 0 : i32
    %add3A_241 = arith.addi %mul3A_5, %add3A_240 : i32
    %min3A_242 = arith.constant 19872 : i32
    %min3A_243 = arith.minsi %add3A_241, %min3A_242 : i32
    %dma_wait3A_244 = arith.constant 0 : i32
    %dma_wait3A_245 = tpu.memref_slice %arg9[%min3A_243, %dma_wait3A_244] : memref<20000x128xf32, #tpu.memory_space<hbm>> -> memref<128x128xf32, #tpu.memory_space<hbm>>
    %dma_wait3A_246 = arith.constant 0 : i32
    %dma_wait3A_247 = tpu.memref_slice %arg9[%min3A_243, %dma_wait3A_246] : memref<20000x128xf32, #tpu.memory_space<hbm>> -> memref<128x128xf32, #tpu.memory_space<hbm>>
    tpu.wait_dma2 semaphore(%arg24 : memref<!tpu.dma_semaphore, #tpu.memory_space<semaphore_mem>>) src(%dma_wait3A_247 : memref<128x128xf32, #tpu.memory_space<hbm>>) dst(%arg20 : memref<128x128xf32, #tpu.memory_space<vmem>>)
    %add3A_248 = arith.constant 256 : i32
    %add3A_249 = arith.addi %mul3A_5, %add3A_248 : i32
    %min3A_250 = arith.constant 19872 : i32
    %min3A_251 = arith.minsi %add3A_249, %min3A_250 : i32
    %add3A_252 = arith.constant 100000 : i32
    %add3A_253 = arith.addi %add3A_252, %min3A_251 : i32
    %dma_start3A_254 = arith.constant 0 : i32
    %dma_start3A_255 = tpu.memref_slice %arg10[%add3A_253, %dma_start3A_254] : memref<120000x128xf32, #tpu.memory_space<hbm>> -> memref<128x128xf32, #tpu.memory_space<hbm>>
    %dma_start3A_256 = arith.constant 0 : i32
    %dma_start3A_257 = tpu.memref_slice %arg10[%add3A_253, %dma_start3A_256] : memref<120000x128xf32, #tpu.memory_space<hbm>> -> memref<128x128xf32, #tpu.memory_space<hbm>>
    tpu.enqueue_dma source(%arg20 : memref<128x128xf32, #tpu.memory_space<vmem>>) target(%dma_start3A_257 : memref<128x128xf32, #tpu.memory_space<hbm>>) target_semaphore(%arg28 : memref<!tpu.dma_semaphore, #tpu.memory_space<semaphore_mem>>)
    %add3A_258 = arith.constant 0 : i32
    %add3A_259 = arith.addi %mul3A_5, %add3A_258 : i32
    %min3A_260 = arith.constant 19872 : i32
    %min3A_261 = arith.minsi %add3A_259, %min3A_260 : i32
    %dma_wait3A_262 = arith.constant 0 : i32
    %dma_wait3A_263 = tpu.memref_slice %arg9[%min3A_261, %dma_wait3A_262] : memref<20000x128xf32, #tpu.memory_space<hbm>> -> memref<128x128xf32, #tpu.memory_space<hbm>>
    %dma_wait3A_264 = arith.constant 0 : i32
    %dma_wait3A_265 = tpu.memref_slice %arg9[%min3A_261, %dma_wait3A_264] : memref<20000x128xf32, #tpu.memory_space<hbm>> -> memref<128x128xf32, #tpu.memory_space<hbm>>
    tpu.wait_dma2 semaphore(%arg25 : memref<!tpu.dma_semaphore, #tpu.memory_space<semaphore_mem>>) src(%dma_wait3A_265 : memref<128x128xf32, #tpu.memory_space<hbm>>) dst(%arg21 : memref<128x128xf32, #tpu.memory_space<vmem>>)
    %add3A_266 = arith.constant 384 : i32
    %add3A_267 = arith.addi %mul3A_5, %add3A_266 : i32
    %min3A_268 = arith.constant 19872 : i32
    %min3A_269 = arith.minsi %add3A_267, %min3A_268 : i32
    %add3A_270 = arith.constant 100000 : i32
    %add3A_271 = arith.addi %add3A_270, %min3A_269 : i32
    %dma_start3A_272 = arith.constant 0 : i32
    %dma_start3A_273 = tpu.memref_slice %arg10[%add3A_271, %dma_start3A_272] : memref<120000x128xf32, #tpu.memory_space<hbm>> -> memref<128x128xf32, #tpu.memory_space<hbm>>
    %dma_start3A_274 = arith.constant 0 : i32
    %dma_start3A_275 = tpu.memref_slice %arg10[%add3A_271, %dma_start3A_274] : memref<120000x128xf32, #tpu.memory_space<hbm>> -> memref<128x128xf32, #tpu.memory_space<hbm>>
    tpu.enqueue_dma source(%arg21 : memref<128x128xf32, #tpu.memory_space<vmem>>) target(%dma_start3A_275 : memref<128x128xf32, #tpu.memory_space<hbm>>) target_semaphore(%arg29 : memref<!tpu.dma_semaphore, #tpu.memory_space<semaphore_mem>>)
    %add3A_276 = arith.constant 0 : i32
    %add3A_277 = arith.addi %mul3A_5, %add3A_276 : i32
    %min3A_278 = arith.constant 19872 : i32
    %min3A_279 = arith.minsi %add3A_277, %min3A_278 : i32
    %dma_wait3A_280 = arith.constant 0 : i32
    %dma_wait3A_281 = tpu.memref_slice %arg9[%min3A_279, %dma_wait3A_280] : memref<20000x128xf32, #tpu.memory_space<hbm>> -> memref<128x128xf32, #tpu.memory_space<hbm>>
    %dma_wait3A_282 = arith.constant 0 : i32
    %dma_wait3A_283 = tpu.memref_slice %arg9[%min3A_279, %dma_wait3A_282] : memref<20000x128xf32, #tpu.memory_space<hbm>> -> memref<128x128xf32, #tpu.memory_space<hbm>>
    tpu.wait_dma2 semaphore(%arg22 : memref<!tpu.dma_semaphore, #tpu.memory_space<semaphore_mem>>) src(%dma_wait3A_283 : memref<128x128xf32, #tpu.memory_space<hbm>>) dst(%arg18 : memref<128x128xf32, #tpu.memory_space<vmem>>)
    %add3A_284 = arith.constant 512 : i32
    %add3A_285 = arith.addi %mul3A_5, %add3A_284 : i32
    %min3A_286 = arith.constant 19872 : i32
    %min3A_287 = arith.minsi %add3A_285, %min3A_286 : i32
    %add3A_288 = arith.constant 100000 : i32
    %add3A_289 = arith.addi %add3A_288, %min3A_287 : i32
    %dma_start3A_290 = arith.constant 0 : i32
    %dma_start3A_291 = tpu.memref_slice %arg10[%add3A_289, %dma_start3A_290] : memref<120000x128xf32, #tpu.memory_space<hbm>> -> memref<128x128xf32, #tpu.memory_space<hbm>>
    %dma_start3A_292 = arith.constant 0 : i32
    %dma_start3A_293 = tpu.memref_slice %arg10[%add3A_289, %dma_start3A_292] : memref<120000x128xf32, #tpu.memory_space<hbm>> -> memref<128x128xf32, #tpu.memory_space<hbm>>
    tpu.enqueue_dma source(%arg18 : memref<128x128xf32, #tpu.memory_space<vmem>>) target(%dma_start3A_293 : memref<128x128xf32, #tpu.memory_space<hbm>>) target_semaphore(%arg26 : memref<!tpu.dma_semaphore, #tpu.memory_space<semaphore_mem>>)
    %add3A_294 = arith.constant 0 : i32
    %add3A_295 = arith.addi %mul3A_5, %add3A_294 : i32
    %min3A_296 = arith.constant 19872 : i32
    %min3A_297 = arith.minsi %add3A_295, %min3A_296 : i32
    %add3A_298 = arith.constant 100000 : i32
    %add3A_299 = arith.addi %add3A_298, %min3A_297 : i32
    %dma_wait3A_300 = arith.constant 0 : i32
    %dma_wait3A_301 = tpu.memref_slice %arg10[%add3A_299, %dma_wait3A_300] : memref<120000x128xf32, #tpu.memory_space<hbm>> -> memref<128x128xf32, #tpu.memory_space<hbm>>
    %dma_wait3A_302 = arith.constant 0 : i32
    %dma_wait3A_303 = tpu.memref_slice %arg10[%add3A_299, %dma_wait3A_302] : memref<120000x128xf32, #tpu.memory_space<hbm>> -> memref<128x128xf32, #tpu.memory_space<hbm>>
    tpu.wait_dma2 semaphore(%arg27 : memref<!tpu.dma_semaphore, #tpu.memory_space<semaphore_mem>>) src(%arg19 : memref<128x128xf32, #tpu.memory_space<vmem>>) dst(%dma_wait3A_303 : memref<128x128xf32, #tpu.memory_space<hbm>>)
    %add3A_304 = arith.constant 0 : i32
    %add3A_305 = arith.addi %mul3A_5, %add3A_304 : i32
    %min3A_306 = arith.constant 19872 : i32
    %min3A_307 = arith.minsi %add3A_305, %min3A_306 : i32
    %add3A_308 = arith.constant 100000 : i32
    %add3A_309 = arith.addi %add3A_308, %min3A_307 : i32
    %dma_wait3A_310 = arith.constant 0 : i32
    %dma_wait3A_311 = tpu.memref_slice %arg10[%add3A_309, %dma_wait3A_310] : memref<120000x128xf32, #tpu.memory_space<hbm>> -> memref<128x128xf32, #tpu.memory_space<hbm>>
    %dma_wait3A_312 = arith.constant 0 : i32
    %dma_wait3A_313 = tpu.memref_slice %arg10[%add3A_309, %dma_wait3A_312] : memref<120000x128xf32, #tpu.memory_space<hbm>> -> memref<128x128xf32, #tpu.memory_space<hbm>>
    tpu.wait_dma2 semaphore(%arg28 : memref<!tpu.dma_semaphore, #tpu.memory_space<semaphore_mem>>) src(%arg20 : memref<128x128xf32, #tpu.memory_space<vmem>>) dst(%dma_wait3A_313 : memref<128x128xf32, #tpu.memory_space<hbm>>)
    %add3A_314 = arith.constant 0 : i32
    %add3A_315 = arith.addi %mul3A_5, %add3A_314 : i32
    %min3A_316 = arith.constant 19872 : i32
    %min3A_317 = arith.minsi %add3A_315, %min3A_316 : i32
    %add3A_318 = arith.constant 100000 : i32
    %add3A_319 = arith.addi %add3A_318, %min3A_317 : i32
    %dma_wait3A_320 = arith.constant 0 : i32
    %dma_wait3A_321 = tpu.memref_slice %arg10[%add3A_319, %dma_wait3A_320] : memref<120000x128xf32, #tpu.memory_space<hbm>> -> memref<128x128xf32, #tpu.memory_space<hbm>>
    %dma_wait3A_322 = arith.constant 0 : i32
    %dma_wait3A_323 = tpu.memref_slice %arg10[%add3A_319, %dma_wait3A_322] : memref<120000x128xf32, #tpu.memory_space<hbm>> -> memref<128x128xf32, #tpu.memory_space<hbm>>
    tpu.wait_dma2 semaphore(%arg29 : memref<!tpu.dma_semaphore, #tpu.memory_space<semaphore_mem>>) src(%arg21 : memref<128x128xf32, #tpu.memory_space<vmem>>) dst(%dma_wait3A_323 : memref<128x128xf32, #tpu.memory_space<hbm>>)
    %add3A_324 = arith.constant 0 : i32
    %add3A_325 = arith.addi %mul3A_5, %add3A_324 : i32
    %min3A_326 = arith.constant 19872 : i32
    %min3A_327 = arith.minsi %add3A_325, %min3A_326 : i32
    %add3A_328 = arith.constant 100000 : i32
    %add3A_329 = arith.addi %add3A_328, %min3A_327 : i32
    %dma_wait3A_330 = arith.constant 0 : i32
    %dma_wait3A_331 = tpu.memref_slice %arg10[%add3A_329, %dma_wait3A_330] : memref<120000x128xf32, #tpu.memory_space<hbm>> -> memref<128x128xf32, #tpu.memory_space<hbm>>
    %dma_wait3A_332 = arith.constant 0 : i32
    %dma_wait3A_333 = tpu.memref_slice %arg10[%add3A_329, %dma_wait3A_332] : memref<120000x128xf32, #tpu.memory_space<hbm>> -> memref<128x128xf32, #tpu.memory_space<hbm>>
    tpu.wait_dma2 semaphore(%arg26 : memref<!tpu.dma_semaphore, #tpu.memory_space<semaphore_mem>>) src(%arg18 : memref<128x128xf32, #tpu.memory_space<vmem>>) dst(%dma_wait3A_333 : memref<128x128xf32, #tpu.memory_space<hbm>>)
    tpu.wait_dma2 semaphore(%arg36 : memref<!tpu.dma_semaphore, #tpu.memory_space<semaphore_mem>>) src(%arg3 : memref<16x128xf32, #tpu.memory_space<hbm>>) dst(%arg17 : memref<16x128xf32, #tpu.memory_space<vmem>>)
    %jit3A = arith.constant 16 : i32
    %div3A = arith.divsi %scan3A_91, %jit3A : i32
    %sign3A = arith.constant 0 : i32
    %sign3A_334 = arith.cmpi sgt, %scan3A_91, %sign3A : i32
    %sign3A_335 = arith.extui %sign3A_334 : i1 to i32
    %sign3A_336 = arith.constant 0 : i32
    %sign3A_337 = arith.cmpi slt, %scan3A_91, %sign3A_336 : i32
    %sign3A_338 = arith.extui %sign3A_337 : i1 to i32
    %sign3A_339 = arith.subi %sign3A_335, %sign3A_338 : i32
    %sign3A_340 = arith.constant 0 : i32
    %sign3A_341 = arith.cmpi sgt, %jit3A, %sign3A_340 : i32
    %sign3A_342 = arith.extui %sign3A_341 : i1 to i32
    %sign3A_343 = arith.constant 0 : i32
    %sign3A_344 = arith.cmpi slt, %jit3A, %sign3A_343 : i32
    %sign3A_345 = arith.extui %sign3A_344 : i1 to i32
    %sign3A_346 = arith.subi %sign3A_342, %sign3A_345 : i32
    %ne3A = arith.cmpi ne, %sign3A_339, %sign3A_346 : i32
    %rem3A = arith.remsi %scan3A_91, %jit3A : i32
    %ne3A_347 = arith.constant 0 : i32
    %ne3A_348 = arith.cmpi ne, %rem3A, %ne3A_347 : i32
    %and3A = arith.andi %ne3A, %ne3A_348 : i1
    %sub3A = arith.constant 1 : i32
    %sub3A_349 = arith.subi %div3A, %sub3A : i32
    %select_n3A = arith.select %and3A, %sub3A_349, %div3A : i32
    %mul3A_350 = arith.constant 16 : i32
    %mul3A_351 = arith.muli %select_n3A, %mul3A_350 : i32
    %sub3A_352 = arith.subi %scan3A_91, %mul3A_351 : i32
    %while3A = arith.constant 0 : i32
    %while3A_353 = arith.constant 0 : i32
    %while3A_354 = arith.subi %select_n3A, %while3A : i32
    %while3A_355 = arith.addi %while3A, %while3A_354 : i32
    %while3A_356 = arith.constant 1 : i32
    %while3A_357 = arith.divsi %while3A_354, %while3A_356 : i32
    %while3A_358 = arith.muli %while3A_357, %while3A_356 : i32
    %while3A_359 = arith.addi %while3A, %while3A_358 : i32
    %while3A_360 = arith.constant 1 : i32
    %while3A_361 = scf.for %while3A_384 = %while3A to %while3A_359 step %while3A_360 iter_args(%while3A_385 = %while3A_353) -> (i32)  : i32 {
      %mul3A_386 = arith.constant 16 : i32
      %mul3A_387 = arith.muli %while3A_384, %mul3A_386 : i32
      %get3A = arith.index_cast %mul3A_387 : i32 to index
      %get3A_388 = tpu.vector_load %arg16[%get3A] {strides = array<i32>} : memref<3792xi32, #tpu.memory_space<vmem>>, vector<16xi32>,
      %dma_start3A_389 = arith.constant 0 : i32
      %dma_start3A_390 = arith.constant 0 : i32
      %dma_start3A_391 = tpu.memref_slice %arg10[%dma_start3A_389, %dma_start3A_390] : memref<120000x128xf32, #tpu.memory_space<hbm>> -> memref<120000x128xf32, #tpu.memory_space<hbm>>
      tpu.enqueue_indirect_dma source(%arg17 : memref<16x128xf32, #tpu.memory_space<vmem>>) target(%dma_start3A_391 : memref<120000x128xf32, #tpu.memory_space<hbm>>) offsets(%get3A_388 : vector<16xi32>) semaphore(%arg30 : memref<!tpu.dma_semaphore, #tpu.memory_space<semaphore_mem>>)
      %while3A_392 = arith.constant 0 : i32
      scf.yield %while3A_392 : i32
    }
    %while3A_362 = arith.constant 1 : i32
    %while3A_363 = scf.for %while3A_384 = %while3A_359 to %while3A_355 step %while3A_362 iter_args(%while3A_385 = %while3A_361) -> (i32)  : i32 {
      %mul3A_386 = arith.constant 16 : i32
      %mul3A_387 = arith.muli %while3A_384, %mul3A_386 : i32
      %get3A = arith.index_cast %mul3A_387 : i32 to index
      %get3A_388 = tpu.vector_load %arg16[%get3A] {strides = array<i32>} : memref<3792xi32, #tpu.memory_space<vmem>>, vector<16xi32>,
      %dma_start3A_389 = arith.constant 0 : i32
      %dma_start3A_390 = arith.constant 0 : i32
      %dma_start3A_391 = tpu.memref_slice %arg10[%dma_start3A_389, %dma_start3A_390] : memref<120000x128xf32, #tpu.memory_space<hbm>> -> memref<120000x128xf32, #tpu.memory_space<hbm>>
      tpu.enqueue_indirect_dma source(%arg17 : memref<16x128xf32, #tpu.memory_space<vmem>>) target(%dma_start3A_391 : memref<120000x128xf32, #tpu.memory_space<hbm>>) offsets(%get3A_388 : vector<16xi32>) semaphore(%arg30 : memref<!tpu.dma_semaphore, #tpu.memory_space<semaphore_mem>>)
      %while3A_392 = arith.constant 0 : i32
      scf.yield %while3A_392 : i32
    }
    %gt3A = arith.constant 0 : i32
    %gt3A_364 = arith.cmpi sgt, %sub3A_352, %gt3A : i32
    %convert_element_type3A = arith.extui %gt3A_364 : i1 to i32
    %cond3A = arith.constant 0 : i32
    %cond3A_365 = arith.cmpi ne, %convert_element_type3A, %cond3A : i32
    scf.if %cond3A_365 {
      %mul3A_384 = arith.constant 16 : i32
      %mul3A_385 = arith.muli %select_n3A, %mul3A_384 : i32
      %broadcast_in_dim3A = vector.broadcast %mul3A_385 : i32 to vector<16xi32>
      %gather3A = tpu.vector_load_idx %arg16[%broadcast_in_dim3A] : memref<3792xi32, #tpu.memory_space<vmem>>[vector<16xi32>], vector<16xi32>,
      %mul3A_386 = arith.constant 16 : i32
      %mul3A_387 = arith.muli %select_n3A, %mul3A_386 : i32
      %get3A = arith.index_cast %mul3A_387 : i32 to index
      %get3A_388 = tpu.vector_load %arg16[%get3A] {strides = array<i32>} : memref<3792xi32, #tpu.memory_space<vmem>>, vector<16xi32>,
      %lt3A = vector.broadcast %sub3A_352 : i32 to vector<16xi32>
      %lt3A_389 = arith.cmpi slt, %iota3A, %lt3A : vector<16xi32>
      %select_n3A_390 = arith.select %lt3A_389, %get3A_388, %gather3A : vector<16xi1>, vector<16xi32>
      %dma_start3A_391 = arith.constant 0 : i32
      %dma_start3A_392 = arith.constant 0 : i32
      %dma_start3A_393 = tpu.memref_slice %arg10[%dma_start3A_391, %dma_start3A_392] : memref<120000x128xf32, #tpu.memory_space<hbm>> -> memref<120000x128xf32, #tpu.memory_space<hbm>>
      tpu.enqueue_indirect_dma source(%arg17 : memref<16x128xf32, #tpu.memory_space<vmem>>) target(%dma_start3A_393 : memref<120000x128xf32, #tpu.memory_space<hbm>>) offsets(%select_n3A_390 : vector<16xi32>) semaphore(%arg30 : memref<!tpu.dma_semaphore, #tpu.memory_space<semaphore_mem>>)
    } else {
    }
    %gt3A_366 = arith.constant 0 : i32
    %gt3A_367 = arith.cmpi sgt, %sub3A_352, %gt3A_366 : i32
    %jit3A_368 = arith.constant 1 : i32
    %jit3A_369 = arith.constant 0 : i32
    %select_n3A_370 = arith.select %gt3A_367, %jit3A_368, %jit3A_369 : i32
    %add3A_371 = arith.addi %select_n3A, %select_n3A_370 : i32
    %while3A_372 = arith.constant 0 : i32
    %while3A_373 = arith.constant 0 : i32
    %while3A_374 = arith.subi %add3A_371, %while3A_372 : i32
    %while3A_375 = arith.addi %while3A_372, %while3A_374 : i32
    %while3A_376 = arith.constant 1 : i32
    %while3A_377 = arith.divsi %while3A_374, %while3A_376 : i32
    %while3A_378 = arith.muli %while3A_377, %while3A_376 : i32
    %while3A_379 = arith.addi %while3A_372, %while3A_378 : i32
    %while3A_380 = arith.constant 1 : i32
    %while3A_381 = scf.for %while3A_384 = %while3A_372 to %while3A_379 step %while3A_380 iter_args(%while3A_385 = %while3A_373) -> (i32)  : i32 {
      %broadcast_in_dim3A = arith.constant 0 : i32
      %broadcast_in_dim3A_386 = vector.broadcast %broadcast_in_dim3A : i32 to vector<16xi32>
      %dma_wait3A_387 = arith.constant 0 : i32
      %dma_wait3A_388 = arith.constant 0 : i32
      %dma_wait3A_389 = tpu.memref_slice %arg10[%dma_wait3A_387, %dma_wait3A_388] : memref<120000x128xf32, #tpu.memory_space<hbm>> -> memref<120000x128xf32, #tpu.memory_space<hbm>>
      tpu.wait_indirect_dma semaphore(%arg30 : memref<!tpu.dma_semaphore, #tpu.memory_space<semaphore_mem>>) src(%arg17 : memref<16x128xf32, #tpu.memory_space<vmem>>) dst(%dma_wait3A_389 : memref<120000x128xf32, #tpu.memory_space<hbm>>)
      %while3A_390 = arith.constant 0 : i32
      scf.yield %while3A_390 : i32
    }
    %while3A_382 = arith.constant 1 : i32
    %while3A_383 = scf.for %while3A_384 = %while3A_379 to %while3A_375 step %while3A_382 iter_args(%while3A_385 = %while3A_381) -> (i32)  : i32 {
      %broadcast_in_dim3A = arith.constant 0 : i32
      %broadcast_in_dim3A_386 = vector.broadcast %broadcast_in_dim3A : i32 to vector<16xi32>
      %dma_wait3A_387 = arith.constant 0 : i32
      %dma_wait3A_388 = arith.constant 0 : i32
      %dma_wait3A_389 = tpu.memref_slice %arg10[%dma_wait3A_387, %dma_wait3A_388] : memref<120000x128xf32, #tpu.memory_space<hbm>> -> memref<120000x128xf32, #tpu.memory_space<hbm>>
      tpu.wait_indirect_dma semaphore(%arg30 : memref<!tpu.dma_semaphore, #tpu.memory_space<semaphore_mem>>) src(%arg17 : memref<16x128xf32, #tpu.memory_space<vmem>>) dst(%dma_wait3A_389 : memref<120000x128xf32, #tpu.memory_space<hbm>>)
      %while3A_390 = arith.constant 0 : i32
      scf.yield %while3A_390 : i32
    }
    return
  }
}

</mosaic_0001>

<sc_bundles>
// kernel: kernel.3.cloned.1.call-start
scs
__scs_entry_jumppad:
0x0: {  	(pc) =	sbr.rel $0x88, $3  }
0x1: {  	(tag) =	ssettag $0x0;
	lr =	simm.s32 $0x1  }
0x2: {  	[smem:$0x3F9B] =	sst lr;
	_ =	strace $0xD0000000  }
0x3: {  	_ = 	snop  }
0x4: {  	_ = 	snop  }
0x5: {  	_ = 	snop  }
0x6: {  	_ = 	snop  }
0x7: {  	_ = 	snop  }
__scs_overlays_trampoline_lowered:
0x8: {  	[smem:$0x3FAA] =	sst s0  }
0x9: {  	[smem:$0x3FAB] =	sst s1  }
0xa: {  	[smem:$0x3FAC] =	sst s2  }
0xb: {  	[smem:$0x3FAD] =	sst s3  }
0xc: {  	[smem:$0x3FAE] =	sst s4  }
0xd: {  	[smem:$0x3FAF] =	sst s5  }
0xe: {  	[smem:$0x3FB0] =	sst s6  }
0xf: {  	[smem:$0x3FB1] =	sst s7  }
0x10: {  	[smem:$0x3FB2] =	sst s8  }
0x11: {  	[smem:$0x3FB3] =	sst s9;
	s0 =	simm.s32 @!p0 $0x0  }
0x12: {  	s1 =	sld [smem:$0x3F99];
	s0 =	simm.s32 @p0 $0x1  }
0x13: {  	[smem:$0x3FB4] =	sst s0;
	s0 =	simm.s32 @!p1 $0x0  }
0x14: {  	s2 =	sld [smem:$0x3F98];
	s0 =	simm.s32 @p1 $0x1  }
0x15: {  	[smem:$0x3FB5] =	sst s0;
	s0 =	simm.s32 @!p2 $0x0  }
0x16: {  	s3 =	sld [smem:$0x3FDB];
	s0 =	simm.s32 @p2 $0x1  }
0x17: {  	s4 =	simm.s32 $0x1BF5;
	[smem:$0x3FB7] =	sst s0  }
0x18: {  	s0 =	sld [smem:$0x3F9A];
	_ =	swait.ge [sflag:s4], $0x0  }
0x19: {  	s7 =	sld [smem:$0x3F9B]  }
0x1a: {  	s8 =	sadd.s32 $0xFFFFE003, lr  }
0x1b: {  	s9 =	sadd.s32 $0xFFFFFEF7, lr;
	s5 =	simm.s32 $0xFFFFFFFF;
	p2 =	slt.u32 s8, $0xFFFFF086  }
0x1c: {  	p1 =	slt.u32 s9, $0xF7A;
	s5 =	simm.s32 @!p2 $0x0  }
0x1d: {  	s5 =	simm.s32 @p1 $0x1;
	p0 =	seq.s32 s7, s2  }
0x1e: {  	s7 =	smul.u32 @!p0 $0xF7A, s2;
	p2 =	seq.s32 @!p0 s5, $0x0  }
0x1f: {  	s9 =	smul.u32 $0xF7A, s1;
	s8 =	simm.s32 @!p0 $0x1BF5;
	p2 =	por !p2, p0  }
0x20: {  	[sflag:s8] =	ssyncset.s32 @!p0 $0xFFFFF086;
	s6 =	sadd.s32 @!p0 s3, s7;
	s7 =	simm.s32 @!p0 $0x108  }
0x21: {  	s3 =	sadd.s32 s3, s9;
	s6 =	sadd.s32 @!p0 $0x88, s6;
	s7 =	simm.s32 @p2 $0x1082  }
0x22: {  	[simem:s7], [sflag:s8] =	dma.local @!p0 [hbm:s6], $0xF7A  }
0x23: {  	s9 =	sor.u32 $0xD0000000, s2;
	s6 =	simm.s32 $0x108;
	_ =	swait.ge @!p0 [sflag:s8], $0x0  }
0x24: {  	s3 =	sadd.s32 $0x88, s3;
	s6 =	simm.s32 @!p1 $0x1082;
	[sflag:s4] =	ssyncset.s32 $0xFFFFF086  }
0x25: {  	[simem:s6], [sflag:s4] =	dma.local [hbm:s3], $0xF7A  }
0x26: {  	[smem:$0x3F9B] =	sst s1;
	(tag) =	ssettag s2;
	_ =	strace s9  }
0x27: {  	s1 =	sld [smem:$0x3FAB]  }
0x28: {  	s2 =	sld [smem:$0x3FAC]  }
0x29: {  	s4 =	sld [smem:$0x3FAE]  }
0x2a: {  	p0 =	seq.s32 s5, $0x0;
	s5 =	sld [smem:$0x3FAF]  }
0x2b: {  	s6 =	sld [smem:$0x3FB0]  }
0x2c: {  	s7 =	sld [smem:$0x3FB1]  }
0x2d: {  	s3 =	simm.s32 $0x108;
	s8 =	sld [smem:$0x3FB2]  }
0x2e: {  	s3 =	simm.s32 @!p0 $0x1082;
	s9 =	sld [smem:$0x3FB3]  }
0x2f: {  	lr =	sadd.s32 s0, s3;
	s0 =	sld [smem:$0x3FAA]  }
0x30: {  	s3 =	sld [smem:$0x3FAD]  }
0x31: {  	[smem:$0x3FB6] =	sst s10  }
0x32: {  	s10 =	sld [smem:$0x3FB4];
	_ =	sdelay $0x3  }
0x33: {  	p0 =	seq.s32 s10, $0x1;
	s10 =	sld [smem:$0x3FB6];
	_ =	sdelay $0x3  }
0x34: {  	[smem:$0x3FB6] =	sst s10  }
0x35: {  	s10 =	sld [smem:$0x3FB5];
	_ =	sdelay $0x3  }
0x36: {  	p1 =	seq.s32 s10, $0x1;
	s10 =	sld [smem:$0x3FB6];
	_ =	sdelay $0x3  }
0x37: {  	[smem:$0x3FB6] =	sst s10  }
0x38: {  	s10 =	sld [smem:$0x3FB7]  }
0x39: {  	_ = 	snop;
	(pc) =	sbr.ind lr, $3  }
0x3a: {  	_ = 	snop  }
0x3b: {  	_ = 	snop  }
0x3c: {  	p2 =	seq.s32 s10, $0x1;
	s10 =	sld [smem:$0x3FB6]  }
0x3d: {  	_ =	shalt  }
0x3e: {  	_ =	shalt  }
0x3f: {  	_ =	shalt  }
0x40: {  	_ =	shalt  }
0x41: {  	_ =	shalt  }
0x42: {  	_ =	shalt  }
0x43: {  	_ =	shalt  }
0x44: {  	_ =	shalt  }
0x45: {  	_ =	shalt  }
0x46: {  	_ =	shalt  }
0x47: {  	_ =	shalt  }
0x48: {  	_ =	shalt  }
0x49: {  	_ =	shalt  }
0x4a: {  	_ =	shalt  }
0x4b: {  	_ =	shalt  }
0x4c: {  	_ =	shalt  }
0x4d: {  	_ =	shalt  }
0x4e: {  	_ =	shalt  }
0x4f: {  	_ =	shalt  }
0x50: {  	_ =	shalt  }
0x51: {  	_ =	shalt  }
0x52: {  	_ =	shalt  }
0x53: {  	_ =	shalt  }
0x54: {  	_ =	shalt  }
0x55: {  	_ =	shalt  }
0x56: {  	_ =	shalt  }
0x57: {  	_ =	shalt  }
0x58: {  	_ =	shalt  }
0x59: {  	_ =	shalt  }
0x5a: {  	_ =	shalt  }
0x5b: {  	_ =	shalt  }
0x5c: {  	_ =	shalt  }
0x5d: {  	_ =	shalt  }
0x5e: {  	_ =	shalt  }
0x5f: {  	_ =	shalt  }
0x60: {  	_ =	shalt  }
0x61: {  	_ =	shalt  }
0x62: {  	_ =	shalt  }
0x63: {  	_ =	shalt  }
0x64: {  	_ =	shalt  }
0x65: {  	_ =	shalt  }
0x66: {  	_ =	shalt  }
0x67: {  	_ =	shalt  }
0x68: {  	_ =	shalt  }
0x69: {  	_ =	shalt  }
0x6a: {  	_ =	shalt  }
0x6b: {  	_ =	shalt  }
0x6c: {  	_ =	shalt  }
0x6d: {  	_ =	shalt  }
0x6e: {  	_ =	shalt  }
0x6f: {  	_ =	shalt  }
0x70: {  	_ =	shalt  }
0x71: {  	_ =	shalt  }
0x72: {  	_ =	shalt  }
0x73: {  	_ =	shalt  }
0x74: {  	_ =	shalt  }
0x75: {  	_ =	shalt  }
0x76: {  	_ =	shalt  }
0x77: {  	_ =	shalt  }
0x78: {  	_ =	shalt  }
0x79: {  	_ =	shalt  }
0x7a: {  	_ =	shalt  }
0x7b: {  	_ =	shalt  }
0x7c: {  	_ =	shalt  }
0x7d: {  	_ =	shalt  }
0x7e: {  	_ =	shalt  }
0x7f: {  	_ =	shalt  }
0x80: {  	_ =	shalt  }
0x81: {  	_ =	shalt  }
0x82: {  	_ =	shalt  }
0x83: {  	_ =	shalt  }
0x84: {  	_ =	shalt  }
0x85: {  	_ =	shalt  }
0x86: {  	_ =	shalt  }
0x87: {  	_ =	shalt  }
.Lfunc_end0:
.L_simem_size_0:
called_computation_lowered:
.L_overlay_start_0:
0x88: {  	s2 =	sld [smem:$0x3FD9]  }
0x89: {  	s3 =	sld [smem:$0x3FFE];
	_ =	sdelay $0x1  }
0x8a: {  	s1 =	srdreg.scid  }
0x8b: {  	s0 =	sand.u32 $0x1, s1  }
0x8c: {  	s17 =	sshll.u32 s0, $0xA;
	s2 =	sadd.s32 s3, s2  }
0x8d: {  	s2 =	sadd.s32 s2, s17  }
0x8e: {  	[smem:$0x3FC2] =	sst s2  }
0x8f: {  	_ = 	snop  }
0x90: {  	s2 =	sld [smem:$0x3FC9]  }
0x91: {  	s18 =	sld [smem:$0x3FC8]  }
0x92: {  	s4 =	sld [smem:$0x3FC6]  }
0x93: {  	s5 =	sld [smem:$0x3FC4]  }
0x94: {  	s6 =	sld [smem:$0x3FD0];
	(tm) =	ssettm $0x1  }
0x95: {  	s7 =	sld [smem:$0x3FFB];
	_ =	sdelay $0x3  }
0x96: {  	_ =	strace s7  }
0x97: {  	s7 =	sld [smem:$0x3FFC];
	_ =	sdelay $0x3  }
0x98: {  	_ =	strace s7  }
0x99: {  	s7 =	sld [smem:$0x3FFD];
	_ =	sdelay $0x3  }
0x9a: {  	_ =	strace s7  }
0x9b: {  	_ =	strace $0x8FFFFFFF  }
0x9c: {  	s19 =	sld [smem:$0x3FDB];
	_ =	sdelay $0x1  }
0x9d: {  	s8 =	simm.s32 $_scs_section_size  }
0x9e: {  	s9 =	simm.s32 $_size__tile_overlayer_lowered;
	s10 =	simm.s32 $_tile_overlayer_lowered  }
0x9f: {  	s22 =	simm.s32 $0x1BFF;
	s21 =	sshll.u32 s10, $0x1;
	s7 =	sadd.s32 s8, s19  }
0xa0: {  	s11 =	simm.s32 $0x0;
	s20 =	sshll.u32 s9, $0x1;
	s9 =	sadd.s32 s21, s7  }
0xa1: {  	[timem:s11], [sflag:s22] =	dma.local [hbm:s9], s20  }
0xa2: {  	_ =	swait.ge [sflag:s22], s20  }
0xa3: {  	s8 =	ssub.s32 $0x0, s20;
	[sflag:s22] =	ssyncset.done $0x0  }
0xa4: {  	[sflag:s22] =	ssyncadd.s32 s8;
	_ =	sdelay $0x1  }
0xa5: {  	s23 =	simm.s32 $0x1B8B  }
0xa6: {  	_ =	swait.ge [sflag:s23], $0x1  }
0xa7: {  	[sflag:s23] =	ssyncset.done $0x0  }
0xa8: {  	s25 =	simm.s32 $0x1B8E;
	s24 =	sld [smem:$0x3FFE];
	[sflag:s23] =	ssyncadd.s32 $0xFFFFFFFF  }
0xa9: {  	s26 =	simm.s32 $execute0_lowered;
	[smem:$0x3FD2] =	sst s25  }
0xaa: {  	s9 =	sshll.u32 s26, $0x1;
	_ =	strace $0x80000046;
	[dreg:$0x1] =	wrdreg $0xFFFFFFFF  }
0xab: {  	s28 =	simm.s32 $_size_execute0_lowered;
	s7 =	sadd.s32 s7, s9;
	[dreg:$0x0] =	wrdreg $0x0  }
0xac: {  	s9 =	sshll.u32 s28, $0x1;
	[dreg:$0x2] =	wrdreg s7  }
0xad: {  	[dreg:$0x3] =	wrdreg s9  }
0xae: {  	[dreg:$0x4] =	wrdreg $0xC0  }
0xaf: {  	_ =	task [dreg:s11], $0x5FFFF  }
0xb0: {  	[dreg:$0x1] =	wrdreg $0xFFFFFFFF  }
0xb1: {  	[dreg:$0x0] =	wrdreg $0x60  }
0xb2: {  	[dreg:$0x2] =	wrdreg s24  }
0xb3: {  	[dreg:$0x3] =	wrdreg s4  }
0xb4: {  	[dreg:$0x4] =	wrdreg s5  }
0xb5: {  	[dreg:$0x5] =	wrdreg s18  }
0xb6: {  	[dreg:$0x6] =	wrdreg s2  }
0xb7: {  	[dreg:$0x7] =	wrdreg s6  }
0xb8: {  	[dreg:$0x8] =	wrdreg $0x9  }
0xb9: {  	_ =	task.clear_ibuf [dreg:s11], $0x9FFFF;
	_ =	strace $0x90000046  }
0xba: {  	s29 =	simm.s32 $0x9;
	_ =	strace $0x80000048  }
0xbb: {  	_ =	swait.ge [sflag:s29], $0x1  }
0xbc: {  	[sflag:s29] =	ssyncadd.s32 $0xFFFFFFFF  }
0xbd: {  	_ =	strace $0x90000048  }
0xbe: {  	_ =	sfence  }
0xbf: {  	s30 =	sld [smem:$0x0];
	_ =	sdelay $0x2  }
0xc0: {  	s31 =	sshll.u32 s1, $0xD;
	s1 =	sshrl.u32 s1, $0x2  }
0xc1: {  	s3 =	sand.u32 $0x4000, s31;
	s1 =	sadd.s32 s1, s30  }
0xc2: {  	s0 =	sor.u32 s3, s0;
	s1 =	sshll.u32 s1, $0x11  }
0xc3: {  	s0 =	sor.u32 s1, s0  }
0xc4: {  	s0 =	sadd.s32 $0x8F2B, s0  }
0xc5: {  	[sflag:s0] =	ssyncadd.remote.s32 $0x1  }
0xc6: {  	_ =	sfence.sel $0xFFFF  }
0xc7: {  	[dreg:$0x0] =	wrdreg $0xFFFFFFFF;
	(pc) =	sbr.abs _section_cstart, $3  }
0xc8: {  	[dreg:$0x1] =	wrdreg $0xFFFFFFFF  }
0xc9: {  	_ =	task.clear_ibuf [dreg:s11], $0x2FFFF;
	_ =	strace $0x9FFFFFFF  }
0xca: {  	(tm) =	ssettm $0x7FFFFFFF  }
0xcb: {  	_ =	shalt  }
tec
execute0_lowered:
.L_overlay_start_1:
0x0: {  	(tag) =	ssettag $0x1  }
0x1: {  	s0 =	rddreg [dreg:$0x0]  }
0x2: {  	s1 =	rddreg [dreg:$0x2]  }
0x3: {  	s2 =	rddreg [dreg:$0x3];
	s3 =	srdreg.scid  }
0x4: {  	s13 =	stileid.u32;
	s6 =	rddreg [dreg:$0x4]  }
0x5: {  	s4 =	rddreg [dreg:$0x5];
	s30 =	simm.s32 $0xAA00;
	s22 =	smul.u32 $0x1880, s13  }
0x6: {  	s3 =	sand.u32 $0x1, s3;
	s5 =	sshll.u32 s13, $0x1;
	s13 =	smul.u32 $0x500, s13  }
0x7: {  	s31 =	simm.s32 $0xEA00;
	s8 =	sadd.s32 $0x3E00, s0;
	s24 =	smul.u32 $0xC40, s3  }
0x8: {  	s7 =	sor.u32 s3, s5;
	s9 =	ssub.s32 $0x2, s3;
	s3 =	smul.u32 $0x280, s3  }
0x9: {  	s10 =	sadd.s32 $0x3C00, s0;
	s5 =	simm.s32 $0x0;
	s15 =	smul.u32 $0xC40, s7  }
0xa: {  	[smem:$0x7FF] =	sst s5;
	s18 =	smul.u32 $0x280, s7;
	s11 =	sshrl.u32 s9, $0x1  }
0xb: {  	s12 =	smul.u32 $0xC400, s7;
	_ =	strace $0x80000047;
	[dreg:$0x7] =	wrdreg s8  }
0xc: {  	s19 =	smul.u32 $0x2800, s7;
	[dreg:$0x8] =	wrdreg s10;
	s9 =	ssub.s32 s9, s11  }
0xd: {  	s3 =	sadd.s32 s3, s13;
	s16 =	smin.u32 s15, $0x17A60;
	s11 =	smin.u32 s18, $0x4BA0  }
0xe: {  	s21 =	smin.u32 s18, $0x4D20;
	s25 =	smin.u32 s18, $0x4CA0;
	s14 =	smin.u32 s18, $0x4C20  }
0xf: {  	v0 =	vmov s15;
	s15 =	simm.s32 $0x3;
	v1 =	vmov s18;
	s18 =	simm.s32 $0x6;
	s8 =	sshrl.u32 s16, $0x3  }
0x10: {  	s20 =	sshrl.u32 s11, $0x3;
	s23 =	sshll.u32 s21, $0x4;
	s16 =	sshll.u32 s25, $0x4  }
0x11: {  	s14 =	sshll.u32 s14, $0x4;
	s13 =	sshll.u32 s11, $0x4;
	s17 =	sadd.s32 s8, s0  }
0x12: {  	s1 =	sadd.s32 s1, s8;
	s0 =	sadd.s32 s0, s20;
	s8 =	sadd.s32 s23, s6  }
0x13: {  	s26 =	sadd.s32 s16, s6;
	s28 =	sadd.s32 s14, s6;
	s20 =	sadd.s32 s16, s4  }
0x14: {  	s21 =	sadd.s32 s14, s4;
	s14 =	simm.s32 $0x2;
	[dreg:$0xa] =	wrdreg s1  }
0x15: {  	s16 =	simm.s32 $0x4;
	s10 =	sadd.s32 $0xA00, s17;
	[dreg:$0xb] =	wrdreg s0  }
0x16: {  	s17 =	sadd.s32 s2, s12;
	s12 =	sadd.s32 s24, s22;
	s8 =	sadd.s32 $0x800, s8  }
0x17: {  	s7 =	sadd.s32 $0x1000, s26;
	s1 =	sadd.s32 s19, s4;
	[dreg:$0x9] =	wrdreg s10  }
0x18: {  	s0 =	sadd.s32 s23, s4;
	s22 =	sadd.s32 s13, s4;
	[dreg:$0xd] =	wrdreg s8  }
0x19: {  	s24 =	smax.u32 s9, $0x1;
	s9 =	simm.s32 $0xD;
	[dreg:$0xe] =	wrdreg s7  }
0x1a: {  	s8 =	sadd.s32 $0x1800, s28;
	s10 =	sadd.s32 s6, s19;
	[dreg:$0x17] =	wrdreg s24  }
0x1b: {  	s1 =	sadd.s32 $0x186A00, s1;
	s19 =	sadd.s32 s13, s6;
	[dreg:$0xc] =	wrdreg s17  }
0x1c: {  	s0 =	sadd.s32 $0x187200, s0;
	s23 =	sadd.s32 $0x188A00, s22;
	[dreg:$0xf] =	wrdreg s8  }
0x1d: {  	s24 =	smin.u32 s3, $0x4BA0;
	s25 =	sadd.s32 $0x700, s17;
	[dreg:$0x10] =	wrdreg s10  }
0x1e: {  	s26 =	sadd.s32 $0xE00, s17;
	s28 =	sadd.s32 $0x1500, s17;
	[dreg:$0x11] =	wrdreg s1  }
0x1f: {  	s29 =	smin.u32 s12, $0x17A60;
	s3 =	simm.s32 $0x12A00;
	[dreg:$0x13] =	wrdreg s0  }
0x20: {  	s13 =	simm.s32 $0x1;
	s17 =	simm.s32 $0x5;
	[dreg:$0x16] =	wrdreg s23  }
0x21: {  	s22 =	simm.s32 $0x9;
	s1 =	sadd.s32 $0x2000, s19;
	[dreg:$0x18] =	wrdreg s25  }
.Ltmp0:
0x22: {  	s0 =	sadd.s32 $0x187A00, s20;
	[dreg:$0x19] =	wrdreg s26;
	(pc) =	sbr.rel .LBB2_1-.Ltmp0, $4  }
0x23: {  	[dreg:$0x1a] =	wrdreg s28;
	s10 =	simm.s32 $0xE;
	s19 =	simm.s32 $0x7  }
0x24: {  	s20 =	simm.s32 $0x8;
	s23 =	simm.s32 $0x0;
	[dreg:$0x12] =	wrdreg s1  }
0x25: {  	v2 =	vimm.f32 $1.000000000e+00;
	v3 =	vlaneseq.u32;
	[dreg:$0x14] =	wrdreg s0;
	s0 =	sadd.s32 $0x188200, s21;
	s1 =	simm.s32 $0xA200  }
0x26: {  	v4 =	vimm.s32 $0x0;
	vm0 =	vmmov $0xffff;
	v5 =	vor.u32 $0x186A0, v3;
	s21 =	simm.s32 $0xF;
	[dreg:$0x15] =	wrdreg s0;
	s0 =	simm.s32 $0x16A00  }
.LBB2_15:
0x27: {  	[sflag:s22] =	ssyncadd.s32 $0xFFFFF800  }
.LBB2_16:
0x28: {  	s23 =	sadd.s32 $0x1, s23;
	s6 =	rddreg [dreg:$0x17]  }
0x29: {  	p0 =	sne.s32 s23, s6  }
.Ltmp1:
0x2a: {  	_ = 	snop;
	(pc) =	sbr.rel @!p0 .LBB2_17-.Ltmp1, $1  }
0x2b: {  	_ =	sdelay $0x3  }
.LBB2_1:
0x2c: {  	s6 =	rddreg [dreg:$0x7]  }
0x2d: {  	[tilespmem:s5], [sflag:$0xA] =	stream.linear.gather [hbm4b:s6+s5], $0x7580, $0x38;
	[tilespmem:$0x1AA00] =	vst v63  }
0x2e: {  	s11 =	rddreg [dreg:$0x1];
	s7 =	simm.s32 $0x7580  }
0x2f: {  	[tilespmem:s7], [sflag:$0xB] =	stream.linear.gather [hbm4b:s11+s5], $0x200, $0x38;
	[tilespmem:$0x1AA00] =	vst v63  }
0x30: {  	s25 =	rddreg [dreg:$0x9];
	s26 =	simm.s32 $0x7780  }
0x31: {  	[tilespmem:s26], [sflag:$0xC] =	stream.linear.gather [hbm4b:s25+s5], $0xC40, $0x38;
	[tilespmem:$0x1AA00] =	vst v63  }
0x32: {  	s8 =	rddreg [dreg:$0xa];
	s11 =	simm.s32 $0x8400  }
0x33: {  	[tilespmem:s11], [sflag:$0xD] =	stream.linear.gather [hbm4b:s8+s5], $0xC40, $0x38;
	[tilespmem:$0x1AA00] =	vst v63  }
0x34: {  	s25 =	rddreg [dreg:$0xb];
	s26 =	simm.s32 $0x9080  }
0x35: {  	[tilespmem:s26], [sflag:$0xE] =	stream.linear.gather [hbm4b:s25+s5], $0x280, $0x38;
	[tilespmem:$0x1AA00] =	vst v63  }
0x36: {  	s8 =	rddreg [dreg:$0x8]  }
0x37: {  	[tilespmem:s1], [sflag:$0xF] =	stream.linear.gather [hbm4b:s8+s5], $0x800, $0x38;
	[tilespmem:$0x1AA00] =	vst v63  }
0x38: {  	s11 =	rddreg [dreg:$0xc]  }
0x39: {  	[tilespmem:s30], [sflag:$0x1] =	stream.linear.gather [hbm4b:s11+s5], $0x3800, $0x38;
	[tilespmem:$0x1AA00] =	vst v63  }
0x3a: {  	s25 =	rddreg [dreg:$0x18]  }
0x3b: {  	[tilespmem:s31], [sflag:$0x2] =	stream.linear.gather [hbm4b:s25+s5], $0x3800, $0x38;
	[tilespmem:$0x1AA00] =	vst v63  }
0x3c: {  	s26 =	rddreg [dreg:$0x19]  }
0x3d: {  	[tilespmem:s3], [sflag:$0x3] =	stream.linear.gather [hbm4b:s26+s5], $0x3800, $0x38;
	[tilespmem:$0x1AA00] =	vst v63  }
0x3e: {  	s7 =	rddreg [dreg:$0x1a];
	s8 =	simm.s32 $0xA  }
0x3f: {  	[tilespmem:s0], [sflag:$0x4] =	stream.linear.gather [hbm4b:s7+s5], $0x3800, $0x38;
	[tilespmem:$0x1AA00] =	vst v63  }
0x40: {  	_ =	swait.ge [sflag:s8], $0x7580  }
0x41: {  	[sflag:s8] =	ssyncset.done $0x0  }
0x42: {  	s11 =	simm.s32 $0xB;
	[sflag:s8] =	ssyncadd.s32 $0xFFFF8A80  }
0x43: {  	_ =	swait.ge [sflag:s11], $0x200  }
0x44: {  	[sflag:s11] =	ssyncset.done $0x0  }
0x45: {  	[sflag:s11] =	ssyncadd.s32 $0xFFFFFE00  }
0x46: {  	v6 =	vld [tilespmem:$0x7580];
	_ =	sdelay $0x7  }
0x47: {  	[tilespmem:v6+s5+$0x0] =	vst.idx.msk $0xffff, v2  }
0x48: {  	v6 =	vld [tilespmem:$0x7590];
	_ =	sdelay $0x7  }
0x49: {  	[tilespmem:v6+s5+$0x0] =	vst.idx.msk $0xffff, v2  }
0x4a: {  	v6 =	vld [tilespmem:$0x75A0];
	_ =	sdelay $0x7  }
0x4b: {  	[tilespmem:v6+s5+$0x0] =	vst.idx.msk $0xffff, v2  }
0x4c: {  	v6 =	vld [tilespmem:$0x75B0];
	_ =	sdelay $0x7  }
0x4d: {  	[tilespmem:v6+s5+$0x0] =	vst.idx.msk $0xffff, v2  }
0x4e: {  	v6 =	vld [tilespmem:$0x75C0];
	_ =	sdelay $0x7  }
0x4f: {  	[tilespmem:v6+s5+$0x0] =	vst.idx.msk $0xffff, v2  }
0x50: {  	v6 =	vld [tilespmem:$0x75D0];
	_ =	sdelay $0x7  }
0x51: {  	[tilespmem:v6+s5+$0x0] =	vst.idx.msk $0xffff, v2  }
0x52: {  	v6 =	vld [tilespmem:$0x75E0];
	_ =	sdelay $0x7  }
0x53: {  	[tilespmem:v6+s5+$0x0] =	vst.idx.msk $0xffff, v2  }
0x54: {  	v6 =	vld [tilespmem:$0x75F0];
	_ =	sdelay $0x7  }
0x55: {  	[tilespmem:v6+s5+$0x0] =	vst.idx.msk $0xffff, v2  }
0x56: {  	v6 =	vld [tilespmem:$0x7600];
	_ =	sdelay $0x7  }
0x57: {  	[tilespmem:v6+s5+$0x0] =	vst.idx.msk $0xffff, v2  }
0x58: {  	v6 =	vld [tilespmem:$0x7610];
	_ =	sdelay $0x7  }
0x59: {  	[tilespmem:v6+s5+$0x0] =	vst.idx.msk $0xffff, v2  }
0x5a: {  	v6 =	vld [tilespmem:$0x7620];
	_ =	sdelay $0x7  }
0x5b: {  	[tilespmem:v6+s5+$0x0] =	vst.idx.msk $0xffff, v2  }
0x5c: {  	v6 =	vld [tilespmem:$0x7630];
	_ =	sdelay $0x7  }
0x5d: {  	[tilespmem:v6+s5+$0x0] =	vst.idx.msk $0xffff, v2  }
0x5e: {  	v6 =	vld [tilespmem:$0x7640];
	_ =	sdelay $0x7  }
0x5f: {  	[tilespmem:v6+s5+$0x0] =	vst.idx.msk $0xffff, v2  }
0x60: {  	v6 =	vld [tilespmem:$0x7650];
	_ =	sdelay $0x7  }
0x61: {  	[tilespmem:v6+s5+$0x0] =	vst.idx.msk $0xffff, v2  }
0x62: {  	v6 =	vld [tilespmem:$0x7660];
	_ =	sdelay $0x7  }
0x63: {  	[tilespmem:v6+s5+$0x0] =	vst.idx.msk $0xffff, v2  }
0x64: {  	v6 =	vld [tilespmem:$0x7670];
	_ =	sdelay $0x7  }
0x65: {  	[tilespmem:v6+s5+$0x0] =	vst.idx.msk $0xffff, v2  }
0x66: {  	v6 =	vld [tilespmem:$0x7680];
	_ =	sdelay $0x7  }
0x67: {  	[tilespmem:v6+s5+$0x0] =	vst.idx.msk $0xffff, v2  }
0x68: {  	v6 =	vld [tilespmem:$0x7690];
	_ =	sdelay $0x7  }
0x69: {  	[tilespmem:v6+s5+$0x0] =	vst.idx.msk $0xffff, v2  }
0x6a: {  	v6 =	vld [tilespmem:$0x76A0];
	_ =	sdelay $0x7  }
0x6b: {  	[tilespmem:v6+s5+$0x0] =	vst.idx.msk $0xffff, v2  }
0x6c: {  	v6 =	vld [tilespmem:$0x76B0];
	_ =	sdelay $0x7  }
0x6d: {  	[tilespmem:v6+s5+$0x0] =	vst.idx.msk $0xffff, v2  }
0x6e: {  	v6 =	vld [tilespmem:$0x76C0];
	_ =	sdelay $0x7  }
0x6f: {  	[tilespmem:v6+s5+$0x0] =	vst.idx.msk $0xffff, v2  }
0x70: {  	v6 =	vld [tilespmem:$0x76D0];
	_ =	sdelay $0x7  }
0x71: {  	[tilespmem:v6+s5+$0x0] =	vst.idx.msk $0xffff, v2  }
0x72: {  	v6 =	vld [tilespmem:$0x76E0];
	_ =	sdelay $0x7  }
0x73: {  	[tilespmem:v6+s5+$0x0] =	vst.idx.msk $0xffff, v2  }
0x74: {  	v6 =	vld [tilespmem:$0x76F0];
	_ =	sdelay $0x7  }
0x75: {  	[tilespmem:v6+s5+$0x0] =	vst.idx.msk $0xffff, v2  }
0x76: {  	v6 =	vld [tilespmem:$0x7700];
	_ =	sdelay $0x7  }
0x77: {  	[tilespmem:v6+s5+$0x0] =	vst.idx.msk $0xffff, v2  }
0x78: {  	v6 =	vld [tilespmem:$0x7710];
	_ =	sdelay $0x7  }
0x79: {  	[tilespmem:v6+s5+$0x0] =	vst.idx.msk $0xffff, v2  }
0x7a: {  	v6 =	vld [tilespmem:$0x7720];
	_ =	sdelay $0x7  }
0x7b: {  	[tilespmem:v6+s5+$0x0] =	vst.idx.msk $0xffff, v2  }
0x7c: {  	v6 =	vld [tilespmem:$0x7730];
	_ =	sdelay $0x7  }
0x7d: {  	[tilespmem:v6+s5+$0x0] =	vst.idx.msk $0xffff, v2  }
0x7e: {  	v6 =	vld [tilespmem:$0x7740];
	_ =	sdelay $0x7  }
0x7f: {  	[tilespmem:v6+s5+$0x0] =	vst.idx.msk $0xffff, v2  }
0x80: {  	v6 =	vld [tilespmem:$0x7750];
	_ =	sdelay $0x7  }
0x81: {  	[tilespmem:v6+s5+$0x0] =	vst.idx.msk $0xffff, v2  }
0x82: {  	v6 =	vld [tilespmem:$0x7760];
	_ =	sdelay $0x7  }
0x83: {  	[tilespmem:v6+s5+$0x0] =	vst.idx.msk $0xffff, v2  }
0x84: {  	v6 =	vld [tilespmem:$0x7770];
	_ =	sdelay $0x7  }
0x85: {  	s25 =	simm.s32 $0xC;
	[tilespmem:v6+s5+$0x0] =	vst.idx.msk $0xffff, v2  }
0x86: {  	_ =	swait.ge [sflag:s25], $0xC40  }
0x87: {  	[sflag:s25] =	ssyncset.done $0x0  }
0x88: {  	[sflag:s25] =	ssyncadd.s32 $0xFFFFF3C0  }
0x89: {  	_ =	swait.ge [sflag:s9], $0xC40  }
0x8a: {  	[sflag:s9] =	ssyncset.done $0x0  }
0x8b: {  	s26 =	simm.s32 $0x0;
	[sflag:s9] =	ssyncadd.s32 $0xFFFFF3C0  }
0x8c: {  	v6 =	vld [tilespmem:s26+$0x7780];
	_ =	sdelay $0x7  }
0x8d: {  	v7 =	vld.idx.msk [tilespmem:v6+s5+$0x0], $0xffff  }
0x8e: {  	v8 =	vld [tilespmem:s26+$0x8400];
	_ =	sdelay $0x3  }
0x8f: {  	vm1 =	veq.s32 v6, $0x0;
	vm2 =	vne.f32 v7, $0.0e+00  }
0x90: {  	v6 =	vor.u32 s29, v3;
	vm1 =	vmor vm1, vm2;
	vm2 =	vgt.s32 v8, $0x1D  }
0x91: {  	vm1 =	vmor vm1, vm2;
	vm2 =	vge.u32 v6, v0  }
0x92: {  	vm1 =	vmand vm2, vm1  }
0x93: {  	v7 =	vsel vm1, $0x1, v4  }
0x94: {  	(xrf0) =	vadd.scan.msk.s32 $0xffff, v7  }
0x95: {  	s28 =	simm.s32 $0x80  }
0x96: {  	s11 =	simm.s32 $0x10;
	s25 =	simm.s32 $0x0;
	s26 =	smov.u32 s29;
	[tilespmem:s5+$0x9300] =	vst.msk vm1, v6  }
.LBB2_2:
0x97: {  	p0 =	sne.s32 s28, $0x30C0;
	v6 =	vld [tilespmem:s11+$0x7780];
	_ =	sdelay $0x2  }
0x98: {  	v7, _, _ =	vpop (xrf0)  }
0x99: {  	(v2sf) =	vpush v7, $0xF;
	_ =	sdelay $0x3  }
0x9a: {  	v7 =	vld.idx.msk [tilespmem:v6+s5+$0x0], $0xffff;
	_ =	sdelay $0x1  }
0x9b: {  	v8 =	vld [tilespmem:s11+$0x8400];
	_ =	sdelay $0x3  }
0x9c: {  	s26 =	sadd.s32 $0x10, s26;
	vm1 =	veq.s32 v6, $0x0;
	vm2 =	vne.f32 v7, $0.0e+00  }
0x9d: {  	v6 =	vor.u32 s26, v3;
	vm1 =	vmor vm1, vm2;
	vm2 =	vgt.s32 v8, $0x1D  }
0x9e: {  	vm1 =	vmor vm1, vm2;
	vm2 =	vge.u32 v6, v0  }
.Ltmp2:
0x9f: {  	vm1 =	vmand vm2, vm1;
	(pc) =	sbr.rel @p0 .LBB2_2-.Ltmp2, $4  }
0xa0: {  	v7 =	vsel vm1, $0x1, v4  }
0xa1: {  	(xrf0) =	vadd.scan.msk.s32 $0xffff, v7;
	s6 =	spop (v2sf)  }
0xa2: {  	s25 =	sadd.s32 s25, s6  }
0xa3: {  	s11 =	sshra.s32 s28, $0x2;
	s28 =	sadd.s32 $0x40, s28;
	[tilespmem:s25+$0x9300] =	vst.msk vm1, v6  }
0xa4: {  	v6 =	vld [tilespmem:s11+$0x7780];
	_ =	sdelay $0x7  }
0xa5: {  	v7 =	vld.idx.msk [tilespmem:v6+s5+$0x0], $0xffff  }
0xa6: {  	v8 =	vld [tilespmem:s11+$0x8400];
	_ =	sdelay $0x3  }
0xa7: {  	s6 =	sadd.s32 $0x10, s26;
	vm1 =	veq.s32 v6, $0x0;
	vm2 =	vne.f32 v7, $0.0e+00  }
0xa8: {  	v6 =	vor.u32 s6, v3;
	vm1 =	vmor vm1, vm2;
	vm2 =	vgt.s32 v8, $0x1D  }
0xa9: {  	vm1 =	vmor vm1, vm2;
	vm2 =	vge.u32 v6, v0  }
0xaa: {  	vm1 =	vmand vm2, vm1  }
0xab: {  	v7 =	vsel vm1, $0x1, v4  }
0xac: {  	(xrf0) =	vadd.scan.msk.s32 $0xffff, v7;
	_ =	sdelay $0x3  }
0xad: {  	v7, _, _ =	vpop (xrf0)  }
0xae: {  	(v2sf) =	vpush v7, $0xF  }
0xaf: {  	v7, _, _ =	vpop (xrf0)  }
0xb0: {  	(v2sf) =	vpush v7, $0xF;
	_ =	sdelay $0xc  }
0xb1: {  	s7 =	spop (v2sf)  }
0xb2: {  	s6 =	sadd.s32 s25, s7  }
0xb3: {  	[tilespmem:s6+$0x9300] =	vst.msk vm1, v6;
	s8 =	spop (v2sf)  }
0xb4: {  	_ =	swait.ge [sflag:s10], $0x280  }
0xb5: {  	[sflag:s10] =	ssyncset.done $0x0  }
0xb6: {  	s26 =	simm.s32 $0x0;
	[sflag:s10] =	ssyncadd.s32 $0xFFFFFD80  }
0xb7: {  	v6 =	vld [tilespmem:s26+$0x9080];
	_ =	sdelay $0x6  }
0xb8: {  	s26 =	simm.s32 $0x0  }
0xb9: {  	v7 =	vld.idx.msk [tilespmem:v6+s26+$0x0], $0xffff;
	_ =	sdelay $0x4  }
0xba: {  	vm1 =	veq.s32 v6, $0x0;
	v6 =	vor.u32 s24, v3;
	vm2 =	vne.f32 v7, $0.0e+00  }
0xbb: {  	vm1 =	vmor vm1, vm2;
	vm2 =	vge.u32 v6, v1  }
0xbc: {  	vm1 =	vmand vm2, vm1  }
0xbd: {  	v6 =	vsel vm1, $0x1, v4  }
0xbe: {  	(xrf0) =	vadd.scan.msk.s32 $0xffff, v6;
	_ =	sdelay $0x1  }
0xbf: {  	s25 =	sadd.s32 s6, s8;
	v7 =	vadd.s32 s24, v5  }
0xc0: {  	s11 =	simm.s32 $0x80;
	s28 =	smov.u32 s24;
	s6 =	simm.s32 $0x10;
	[tilespmem:s25+$0x9300] =	vst.msk vm1, v7  }
.LBB2_4:
0xc1: {  	p0 =	sne.s32 s11, $0x9C0;
	v6 =	vld [tilespmem:s6+$0x9080];
	_ =	sdelay $0x1  }
0xc2: {  	v7, _, _ =	vpop (xrf0)  }
0xc3: {  	(v2sf) =	vpush v7, $0xF;
	_ =	sdelay $0x4  }
0xc4: {  	v7 =	vld.idx.msk [tilespmem:v6+s26+$0x0], $0xffff;
	_ =	sdelay $0x4  }
0xc5: {  	s28 =	sadd.s32 $0x10, s28  }
0xc6: {  	vm1 =	veq.s32 v6, $0x0;
	v6 =	vor.u32 s28, v3;
	vm2 =	vne.f32 v7, $0.0e+00  }
0xc7: {  	vm1 =	vmor vm1, vm2;
	vm2 =	vge.u32 v6, v1  }
0xc8: {  	vm1 =	vmand vm2, vm1  }
.Ltmp3:
0xc9: {  	v6 =	vsel vm1, $0x1, v4;
	(pc) =	sbr.rel @p0 .LBB2_4-.Ltmp3, $4  }
0xca: {  	(xrf0) =	vadd.scan.msk.s32 $0xffff, v6;
	s6 =	spop (v2sf)  }
0xcb: {  	v6 =	vadd.s32 s28, v5;
	s25 =	sadd.s32 s25, s6  }
0xcc: {  	[tilespmem:s25+$0x9300] =	vst.msk vm1, v6  }
0xcd: {  	s6 =	sshra.s32 s11, $0x2;
	s11 =	sadd.s32 $0x40, s11  }
0xce: {  	v6 =	vld [tilespmem:s6+$0x9080];
	_ =	sdelay $0x7  }
0xcf: {  	v7 =	vld.idx.msk [tilespmem:v6+s26+$0x0], $0xffff;
	_ =	sdelay $0x3  }
0xd0: {  	s8 =	sadd.s32 $0x10, s28  }
0xd1: {  	vm1 =	veq.s32 v6, $0x0;
	v6 =	vor.u32 s8, v3;
	vm2 =	vne.f32 v7, $0.0e+00  }
0xd2: {  	vm1 =	vmor vm1, vm2;
	vm2 =	vge.u32 v6, v1  }
0xd3: {  	vm1 =	vmand vm2, vm1  }
0xd4: {  	v6 =	vsel vm1, $0x1, v4  }
0xd5: {  	(xrf0) =	vadd.scan.msk.s32 $0xffff, v6;
	_ =	sdelay $0x4  }
0xd6: {  	v6, _, _ =	vpop (xrf0)  }
0xd7: {  	(v2sf) =	vpush v6, $0xF;
	v6, _, _ =	vpop (xrf0)  }
0xd8: {  	(v2sf) =	vpush v6, $0xF;
	_ =	sdelay $0xd  }
0xd9: {  	s11 =	spop (v2sf)  }
0xda: {  	v6 =	vadd.s32 s8, v5;
	s25 =	sadd.s32 s25, s11;
	s28 =	spop (v2sf)  }
0xdb: {  	[tilespmem:s25+$0x9300] =	vst.msk vm1, v6;
	s25 =	sadd.s32 s25, s28  }
.LBB2_6:
0xdc: {  	s28 =	sadd.s32 s26, s12  }
0xdd: {  	p0 =	slt.s32 s28, $0x18630;
	s6 =	smov.u32 s28  }
0xde: {  	_ =	swait.ge [sflag:s13], $0x3800;
	s6 =	simm.s32 @!p0 $0x18630  }
0xdf: {  	[sflag:s13] =	ssyncset.done $0x0;
	s6 =	sshll.u32 s6, $0x4  }
0xe0: {  	[sflag:s13] =	ssyncadd.s32 $0xFFFFC800;
	p0 =	seq.s32 s26, $0xA80;
	s6 =	sadd.s32 s4, s6  }
0xe1: {  	[hbm4b:s6+s5] =	stream.linear.scatter [tilespmem:s30], [sflag:$0x5], $0x3800, $0x38;
	[tilespmem:$0x1AA00] =	vst v63  }
0xe2: {  	s6 =	sadd.s32 @!p0 s26, s12  }
0xe3: {  	s11 =	sadd.s32 @!p0 $0x1C0, s6  }
0xe4: {  	s7 =	simm.s32 @!p0 $0x5;
	p1 =	slt.s32 @!p0 s11, $0x18630  }
0xe5: {  	_ =	swait.ge @!p0 [sflag:s7], $0x3800;
	p1 =	por !p1, p0  }
0xe6: {  	[sflag:s7] =	ssyncset.done @!p0 $0x0;
	s11 =	simm.s32 @p1 $0x18630  }
0xe7: {  	[sflag:s7] =	ssyncadd.s32 @!p0 $0xFFFFC800;
	s7 =	sshll.u32 @!p0 s11, $0x4  }
0xe8: {  	s8 =	simm.s32 @!p0 $0xAA00;
	s11 =	simm.s32 @!p0 $0x0;
	s7 =	sadd.s32 @!p0 s2, s7  }
0xe9: {  	[tilespmem:s8], [sflag:$0x1] =	stream.linear.gather @!p0 [hbm4b:s7+s11], $0x3800, $0x38;
	[tilespmem:$0x1AA00] =	vst v63  }
0xea: {  	s7 =	sadd.s32 $0x70, s28  }
0xeb: {  	p1 =	slt.s32 s7, $0x18630  }
0xec: {  	_ =	swait.ge [sflag:s14], $0x3800;
	s7 =	simm.s32 @!p1 $0x18630  }
0xed: {  	[sflag:s14] =	ssyncset.done $0x0;
	s7 =	sshll.u32 s7, $0x4  }
0xee: {  	[sflag:s14] =	ssyncadd.s32 $0xFFFFC800;
	s7 =	sadd.s32 s4, s7  }
0xef: {  	[hbm4b:s7+s5] =	stream.linear.scatter [tilespmem:s31], [sflag:$0x6], $0x3800, $0x38;
	[tilespmem:$0x1AA00] =	vst v63  }
0xf0: {  	s7 =	sadd.s32 @!p0 $0x230, s6  }
0xf1: {  	p1 =	slt.s32 @!p0 s7, $0x18630  }
0xf2: {  	s8 =	simm.s32 @!p0 $0x6;
	p1 =	por !p1, p0  }
0xf3: {  	_ =	swait.ge @!p0 [sflag:s8], $0x3800;
	s7 =	simm.s32 @p1 $0x18630  }
0xf4: {  	[sflag:s8] =	ssyncset.done @!p0 $0x0;
	s7 =	sshll.u32 @!p0 s7, $0x4  }
0xf5: {  	[sflag:s8] =	ssyncadd.s32 @!p0 $0xFFFFC800;
	s8 =	simm.s32 @!p0 $0xEA00;
	s7 =	sadd.s32 @!p0 s2, s7  }
0xf6: {  	[tilespmem:s8], [sflag:$0x2] =	stream.linear.gather @!p0 [hbm4b:s7+s11], $0x3800, $0x38;
	[tilespmem:$0x1AA00] =	vst v63  }
0xf7: {  	s7 =	sadd.s32 $0xE0, s28  }
0xf8: {  	p1 =	slt.s32 s7, $0x18630  }
0xf9: {  	_ =	swait.ge [sflag:s15], $0x3800;
	s7 =	simm.s32 @!p1 $0x18630  }
0xfa: {  	s6 =	sadd.s32 @!p0 $0x2A0, s6;
	[sflag:s15] =	ssyncset.done $0x0;
	s7 =	sshll.u32 s7, $0x4  }
0xfb: {  	p1 =	slt.s32 @!p0 s6, $0x18630;
	[sflag:s15] =	ssyncadd.s32 $0xFFFFC800;
	s7 =	sadd.s32 s4, s7  }
0xfc: {  	[hbm4b:s7+s5] =	stream.linear.scatter [tilespmem:s3], [sflag:$0x7], $0x3800, $0x38;
	[tilespmem:$0x1AA00] =	vst v63  }
0xfd: {  	p1 =	por !p1, p0;
	s7 =	simm.s32 @!p0 $0x7  }
0xfe: {  	s6 =	simm.s32 @p1 $0x18630;
	_ =	swait.ge @!p0 [sflag:s7], $0x3800  }
0xff: {  	s6 =	sshll.u32 @!p0 s6, $0x4;
	[sflag:s7] =	ssyncset.done @!p0 $0x0  }
0x100: {  	s6 =	sadd.s32 @!p0 s2, s6;
	[sflag:s7] =	ssyncadd.s32 @!p0 $0xFFFFC800;
	s7 =	simm.s32 @!p0 $0x12A00  }
0x101: {  	[tilespmem:s7], [sflag:$0x3] =	stream.linear.gather @!p0 [hbm4b:s6+s11], $0x3800, $0x38;
	[tilespmem:$0x1AA00] =	vst v63  }
0x102: {  	s6 =	sadd.s32 $0x150, s28  }
.Ltmp4:
0x103: {  	p1 =	slt.s32 s6, $0x18630;
	(pc) =	sbr.rel @p0 .LBB2_8-.Ltmp4, $4  }
0x104: {  	_ =	swait.ge [sflag:s16], $0x3800;
	s6 =	simm.s32 @!p1 $0x18630  }
0x105: {  	[sflag:s16] =	ssyncset.done $0x0;
	s6 =	sshll.u32 s6, $0x4  }
0x106: {  	[sflag:s16] =	ssyncadd.s32 $0xFFFFC800;
	s6 =	sadd.s32 s4, s6  }
0x107: {  	[hbm4b:s6+s5] =	stream.linear.scatter [tilespmem:s0], [sflag:$0x8], $0x3800, $0x38;
	[tilespmem:$0x1AA00] =	vst v63  }
0x108: {  	s6 =	sadd.s32 $0x310, s28  }
.Ltmp5:
0x109: {  	p0 =	slt.s32 s6, $0x18630;
	(pc) =	sbr.rel .LBB2_6-.Ltmp5, $4  }
0x10a: {  	_ =	swait.ge [sflag:s20], $0x3800;
	s6 =	simm.s32 @!p0 $0x18630  }
0x10b: {  	[sflag:s20] =	ssyncset.done $0x0;
	s6 =	sshll.u32 s6, $0x4  }
0x10c: {  	s26 =	sadd.s32 $0x1C0, s26;
	[sflag:s20] =	ssyncadd.s32 $0xFFFFC800;
	s6 =	sadd.s32 s2, s6  }
0x10d: {  	[tilespmem:s0], [sflag:$0x4] =	stream.linear.gather [hbm4b:s6+s5], $0x3800, $0x38;
	[tilespmem:$0x1AA00] =	vst v63  }
.LBB2_8:
0x10e: {  	_ =	swait.ge [sflag:s17], $0x3800  }
0x10f: {  	[sflag:s17] =	ssyncset.done $0x0  }
0x110: {  	[sflag:s17] =	ssyncadd.s32 $0xFFFFC800  }
0x111: {  	_ =	swait.ge [sflag:s18], $0x3800  }
0x112: {  	[sflag:s18] =	ssyncset.done $0x0  }
0x113: {  	[sflag:s18] =	ssyncadd.s32 $0xFFFFC800  }
0x114: {  	_ =	swait.ge [sflag:s19], $0x3800  }
0x115: {  	[sflag:s19] =	ssyncset.done $0x0  }
0x116: {  	[sflag:s19] =	ssyncadd.s32 $0xFFFFC800  }
0x117: {  	_ =	swait.ge [sflag:s20], $0x3800  }
0x118: {  	[sflag:s20] =	ssyncset.done $0x0  }
0x119: {  	s6 =	rddreg [dreg:$0x10];
	[sflag:s20] =	ssyncadd.s32 $0xFFFFC800  }
0x11a: {  	[tilespmem:s30], [sflag:$0x1] =	stream.linear.gather [hbm4b:s6+s5], $0x4000, $0x38;
	[tilespmem:$0x1AA00] =	vst v63  }
0x11b: {  	s28 =	rddreg [dreg:$0xd]  }
0x11c: {  	[tilespmem:s31], [sflag:$0x2] =	stream.linear.gather [hbm4b:s28+s5], $0x4000, $0x38;
	[tilespmem:$0x1AA00] =	vst v63  }
0x11d: {  	s7 =	rddreg [dreg:$0xe]  }
0x11e: {  	[tilespmem:s3], [sflag:$0x3] =	stream.linear.gather [hbm4b:s7+s5], $0x4000, $0x38;
	[tilespmem:$0x1AA00] =	vst v63  }
0x11f: {  	s8 =	rddreg [dreg:$0xf]  }
0x120: {  	[tilespmem:s0], [sflag:$0x4] =	stream.linear.gather [hbm4b:s8+s5], $0x4000, $0x38;
	[tilespmem:$0x1AA00] =	vst v63  }
0x121: {  	_ =	swait.ge [sflag:s13], $0x4000  }
0x122: {  	[sflag:s13] =	ssyncset.done $0x0  }
0x123: {  	s11 =	rddreg [dreg:$0x11];
	[sflag:s13] =	ssyncadd.s32 $0xFFFFC000  }
0x124: {  	[hbm4b:s11+s5] =	stream.linear.scatter [tilespmem:s30], [sflag:$0x5], $0x4000, $0x38;
	[tilespmem:$0x1AA00] =	vst v63  }
0x125: {  	_ =	swait.ge [sflag:s17], $0x4000  }
0x126: {  	[sflag:s17] =	ssyncset.done $0x0  }
0x127: {  	s26 =	rddreg [dreg:$0x12];
	[sflag:s17] =	ssyncadd.s32 $0xFFFFC000  }
0x128: {  	[tilespmem:s30], [sflag:$0x1] =	stream.linear.gather [hbm4b:s26+s5], $0x4000, $0x38;
	[tilespmem:$0x1AA00] =	vst v63  }
0x129: {  	_ =	swait.ge [sflag:s14], $0x4000  }
0x12a: {  	[sflag:s14] =	ssyncset.done $0x0  }
0x12b: {  	s28 =	rddreg [dreg:$0x13];
	[sflag:s14] =	ssyncadd.s32 $0xFFFFC000  }
0x12c: {  	[hbm4b:s28+s5] =	stream.linear.scatter [tilespmem:s31], [sflag:$0x6], $0x4000, $0x38;
	[tilespmem:$0x1AA00] =	vst v63  }
0x12d: {  	_ =	swait.ge [sflag:s15], $0x4000  }
0x12e: {  	[sflag:s15] =	ssyncset.done $0x0  }
0x12f: {  	s7 =	rddreg [dreg:$0x14];
	[sflag:s15] =	ssyncadd.s32 $0xFFFFC000  }
0x130: {  	[hbm4b:s7+s5] =	stream.linear.scatter [tilespmem:s3], [sflag:$0x7], $0x4000, $0x38;
	[tilespmem:$0x1AA00] =	vst v63  }
0x131: {  	_ =	swait.ge [sflag:s16], $0x4000  }
0x132: {  	[sflag:s16] =	ssyncset.done $0x0  }
0x133: {  	s8 =	rddreg [dreg:$0x15];
	[sflag:s16] =	ssyncadd.s32 $0xFFFFC000  }
0x134: {  	[hbm4b:s8+s5] =	stream.linear.scatter [tilespmem:s0], [sflag:$0x8], $0x4000, $0x38;
	[tilespmem:$0x1AA00] =	vst v63  }
0x135: {  	_ =	swait.ge [sflag:s13], $0x4000  }
0x136: {  	[sflag:s13] =	ssyncset.done $0x0  }
0x137: {  	s11 =	rddreg [dreg:$0x16];
	[sflag:s13] =	ssyncadd.s32 $0xFFFFC000  }
0x138: {  	[hbm4b:s11+s5] =	stream.linear.scatter [tilespmem:s30], [sflag:$0x5], $0x4000, $0x38;
	[tilespmem:$0x1AA00] =	vst v63  }
0x139: {  	_ =	swait.ge [sflag:s18], $0x4000  }
0x13a: {  	[sflag:s18] =	ssyncset.done $0x0  }
0x13b: {  	s26 =	sand.u32 $0xF, s25;
	[sflag:s18] =	ssyncadd.s32 $0xFFFFC000  }
0x13c: {  	p0 =	slt.s32 s25, $0x1;
	p1 =	sne.s32 s26, $0x0;
	_ =	swait.ge [sflag:s19], $0x4000  }
0x13d: {  	p0 =	por !p0, !p1;
	s7 =	sshra.s32 s25, $0x1F;
	[sflag:s19] =	ssyncset.done $0x0  }
0x13e: {  	p0 =	por !p0, !p0;
	s28 =	sshrl.u32 s7, $0x1C;
	[sflag:s19] =	ssyncadd.s32 $0xFFFFC000  }
0x13f: {  	s7 =	simm.s32 $0x1;
	s6 =	sadd.s32 s28, s25;
	_ =	swait.ge [sflag:s20], $0x4000  }
0x140: {  	s7 =	simm.s32 @!p0 $0x0;
	s6 =	sshra.s32 s6, $0x4;
	[sflag:s20] =	ssyncset.done $0x0  }
0x141: {  	s26 =	ssub.s32 s6, s7;
	[sflag:s20] =	ssyncadd.s32 $0xFFFFC000  }
0x142: {  	p0 =	slt.s32 s26, $0x1;
	_ =	swait.ge [sflag:s17], $0x4000  }
.Ltmp6:
0x143: {  	[sflag:s17] =	ssyncset.done $0x0;
	(pc) =	sbr.rel @p0 .LBB2_12-.Ltmp6, $4  }
0x144: {  	[sflag:s17] =	ssyncadd.s32 $0xFFFFC000  }
0x145: {  	_ =	swait.ge [sflag:s21], $0x800  }
0x146: {  	[sflag:s21] =	ssyncset.done $0x0  }
0x147: {  	s11 =	simm.s32 $0x9300;
	[sflag:s21] =	ssyncadd.s32 $0xFFFFF800  }
0x148: {  	p0 =	sne.s32 s26, $0x1  }
.Ltmp7:
0x149: {  	_ = 	snop;
	(pc) =	sbr.rel @!p0 .LBB2_11-.Ltmp7, $2  }
0x14a: {  	_ =	sdelay $0x2  }
0x14b: {  	v6 =	vld [tilespmem:s11+$0x0];
	s28 =	sadd.s32 $0xFFFFFFFF, s26  }
.LBB2_10:
0x14c: {  	p0 =	sne.s32 s28, $0x1;
	_ =	sdelay $0x3  }
.Ltmp8:
0x14d: {  	(pc) =	sbr.rel @p0 .LBB2_10-.Ltmp8, $4  }
0x14e: {  	_ = 	snop  }
0x14f: {  	s11 =	sadd.s32 $0x10, s11  }
0x150: {  	[hbm4b:s4+s5] =	stream.indirect_vreg.scatter [tilespmem:s1], [sflag:$0x9], $0x80, v6, vm0, $0xb8;
	[tilespmem:$0x1AA00] =	vst v63  }
0x151: {  	s28 =	sadd.s32 $0xFFFFFFFF, s28;
	v6 =	vld [tilespmem:s11+$0x0]  }
.LBB2_11:
0x152: {  	_ =	sdelay $0x7  }
0x153: {  	[hbm4b:s4+s5] =	stream.indirect_vreg.scatter [tilespmem:s1], [sflag:$0x9], $0x80, v6, vm0, $0xb8;
	[tilespmem:$0x1AA00] =	vst v63  }
.LBB2_12:
0x154: {  	s6 =	sshll.u32 s26, $0x4  }
0x155: {  	s7 =	ssub.s32 s25, s6  }
0x156: {  	p0 =	slt.s32 s7, $0x1  }
0x157: {  	v6 =	vmov @!p0 s6  }
0x158: {  	v6 =	vand.u32 @!p0 $0xFFFFFFF0, v6  }
0x159: {  	v6 =	vbroadcast @!p0 v6, $0x0;
	_ =	sdelay $0x4  }
0x15a: {  	s8 =	simm.s32 @!p0 $0x9300;
	v7 =	vld @!p0 [tilespmem:s6+$0x9300]  }
0x15b: {  	v6 =	vld.idx.msk @!p0 [tilespmem:v6+s8+$0x0], $0xffff;
	_ =	sdelay $0x2  }
0x15c: {  	v8 =	vmov @!p0 s7;
	v9 =	vlaneseq.u32 @!p0  }
0x15d: {  	vm1 =	vgt.s32 @!p0 v8, v9  }
0x15e: {  	v6 =	vsel @!p0 vm1, v7, v6;
	_ =	sdelay $0x3  }
0x15f: {  	s6 =	simm.s32 @!p0 $0x0;
	s8 =	simm.s32 @!p0 $0xA200;
	vm1 =	vmmov @!p0 $0xffff  }
0x160: {  	[hbm4b:s4+s6] =	stream.indirect_vreg.scatter @!p0 [tilespmem:s8], [sflag:$0x9], $0x80, v6, vm1, $0xb8;
	[tilespmem:$0x1AA00] =	vst v63  }
0x161: {  	p0 =	sgt.s32 s7, $0x0;
	s6 =	simm.s32 $0x1  }
0x162: {  	s6 =	simm.s32 @!p0 $0x0  }
0x163: {  	s6 =	sadd.s32 s6, s26  }
0x164: {  	p0 =	slt.s32 s6, $0x1  }
.Ltmp9:
0x165: {  	_ = 	snop;
	(pc) =	sbr.rel @p0 .LBB2_16-.Ltmp9, $1  }
0x166: {  	_ =	sdelay $0x3  }
0x167: {  	p0 =	sne.s32 s6, $0x1  }
.Ltmp10:
0x168: {  	_ = 	snop;
	(pc) =	sbr.rel @!p0 .LBB2_15-.Ltmp10, $3  }
0x169: {  	_ =	sdelay $0x1  }
0x16a: {  	_ =	swait.ge [sflag:s22], $0x800  }
0x16b: {  	s11 =	sadd.s32 $0xFFFFFFFF, s6;
	[sflag:s22] =	ssyncset.done $0x0  }
.LBB2_14:
0x16c: {  	p0 =	sne.s32 s11, $0x1;
	s11 =	sadd.s32 $0xFFFFFFFF, s11;
	[sflag:s22] =	ssyncadd.s32 $0xFFFFF800  }
.Ltmp11:
0x16d: {  	(pc) =	sbr.rel @p0 .LBB2_14-.Ltmp11, $3  }
0x16e: {  	_ =	sdelay $0x1  }
0x16f: {  	_ =	swait.ge [sflag:s22], $0x800  }
0x170: {  	[sflag:s22] =	ssyncset.done $0x0  }
.Ltmp12:
0x171: {  	_ = 	snop;
	(pc) =	sbr.rel .LBB2_15-.Ltmp12, $1  }
0x172: {  	_ =	sdelay $0x3  }
.LBB2_17:
0x173: {  	_ =	sfence.sel $0x180000  }
0x174: {  	[bflag:$0x0] =	sbarrier.arrive $0xFFFF  }
0x175: {  	_ =	strace $0x90000047  }
0x176: {  	s0 =	stileid.u32;
	[bflag:$0x2] =	sbarrier.arrive $0xFFFF  }
0x177: {  	p0 =	sne.s32 s0, $0x0;
	s0 =	rddreg [dreg:$0x6]  }
0x178: {  	s0 =	sadd.s32 @!p0 $0x100000, s0  }
0x179: {  	[sflag:s0] =	ssyncadd.tile.s32 @!p0 $0x1;
	_ =	shalt  }
.Lfunc_end2:
_tile_overlayer_lowered:
.L_overlay_start_2:
0x17a: {  	(tag) =	ssettag $0x2  }
0x17b: {  	s0 =	rddreg [dreg:$0x0];
	s2 =	stileid.u32  }
0x17c: {  	s1 =	rddreg [dreg:$0x1];
	p0 =	sne.s32 s2, $0x0  }
0x17d: {  	s3 =	rddreg [dreg:$0x2];
	[bflag:$0x3] =	sbarrier.arrive $0xFFFF;
	s2 =	simm.s32 @!p0 $0x1C10  }
0x17e: {  	[timem:s3], [sflag:s2] =	dma.local @!p0 [hbm:s0], s1  }
0x17f: {  	s0 =	simm.s32 @!p0 $0x10  }
0x180: {  	_ =	swait.ge @!p0 [sflag:s0], s1  }
0x181: {  	s1 =	ssub.s32 @!p0 $0x0, s1;
	[sflag:s0] =	ssyncset.done @!p0 $0x0  }
0x182: {  	[sflag:s0] =	ssyncadd.s32 @!p0 s1  }
0x183: {  	[bflag:$0x3] =	sbarrier.arrive $0xFFFF  }
0x184: {  	_ =	shalt  }

</sc_bundles>
